<compile_context>
chip_gen: v7x
topology: tpu7x:2x2x1
jax: 0.10.2.dev20260603
libtpu: 0.0.44.dev20260713+nightly
codegen_flags: <defaults>
</compile_context>

<pallas_src>
import jax
import jax.numpy as jnp
from jax import lax
from jax.experimental import pallas as pl
from jax.experimental.pallas import tpu as pltpu
from jax.experimental.pallas import tpu_sc as plsc

_R = 7
_K = 2 * _R + 1
_H = 64
_W = 64
_HW = _H * _W
_NC = 2
_NS = 16
_L = 16
_SLOTS = 96
_SW = _SLOTS * _W
_IPC = _H // _NC
_CBT = _HW // 128 // _NS


def _sc_body(b_hbm, out_hbm, bvm, rows8, band8, s0_sh, s64_sh, sem, sem2):
    c = lax.axis_index("c")
    s = lax.axis_index("s")
    pltpu.sync_copy(b_hbm, bvm.at[pl.ds(0, _K * _K)])

    ph = s // 8
    g = s % 8
    slot0 = 56 - ph - (1 - c) * 32
    zeros16 = jnp.zeros((_L,), jnp.float32)

    def zero_body(k, carry):
        for jl in range(8):
            for u in range(8):
                rows8[jl, pl.ds(k * 128 + u * _L, _L)] = zeros16
        return carry

    lax.fori_loop(0, _SW // 128, zero_body, 0)

    rg = pl.ds(pl.multiple_of(g * 8, 8), 8)

    @pl.when(ph == 0)
    def _():
        pltpu.async_copy(rows8, s0_sh.at[rg, :], sem2)

    @pl.when(ph == 1)
    def _():
        pltpu.async_copy(rows8, s64_sh.at[rg, :], sem2)

    def bzero_body(k, carry):
        for jl in range(8):
            for u in range(8):
                band8[jl, pl.ds(k * 128 + u * _L, _L)] = zeros16
        return carry

    lax.fori_loop(0, 16 * _W // 128, bzero_body, 0)

    lane = lax.iota(jnp.int32, _L)
    off0 = (slot0 & 1) * _W
    ws = pl.multiple_of((slot0 - (slot0 & 1)) * _W, 128)

    def fill_body(t, carry):
        jl = t // _K
        a = t % _K
        j = g * 8 + jl
        row = bvm[pl.ds(a * _K, _L)]
        for m in range(_W // _L):
            q = m * _L + lane
            b = q - j + _R
            inb = jnp.logical_and(b >= 0, b < _K)
            bcl = jnp.clip(b, 0, _K - 1)
            vals = jnp.where(inb, row.at[bcl].get(mode="promise_in_bounds"), 0.0)
            band8[jl, pl.ds(off0 + a * _W + m * _L, _L)] = vals
        return carry

    lax.fori_loop(0, 8 * _K, fill_body, 0)

    @pl.when(ph == 0)
    def _():
        pltpu.make_async_copy(rows8, s0_sh.at[rg, :], sem2).wait()
        pltpu.sync_copy(band8, s0_sh.at[rg, pl.ds(ws, 16 * _W)])

    @pl.when(ph == 1)
    def _():
        pltpu.make_async_copy(rows8, s64_sh.at[rg, :], sem2).wait()
        pltpu.sync_copy(band8, s64_sh.at[rg, pl.ds(ws, 16 * _W)])

    plsc.subcore_barrier()

    def fire_body(ii, carry):
        i_ev = c * _IPC + 2 * ii
        base = (15 - ii) * 128
        for k in range(_CBT):
            cb = s * _CBT + k
            srcc = pl.multiple_of(base + cb * 128, 128)
            dst_col = pl.multiple_of(cb * 128, 128)
            pltpu.async_copy(
                s64_sh.at[:, pl.ds(srcc, 128)],
                out_hbm.at[
                    pl.ds(pl.multiple_of(i_ev * _W, 64), _H),
                    pl.ds(dst_col, 128),
                ],
                sem,
            )
            pltpu.async_copy(
                s0_sh.at[:, pl.ds(srcc, 128)],
                out_hbm.at[
                    pl.ds(pl.multiple_of((i_ev + 1) * _W, 64), _H),
                    pl.ds(dst_col, 128),
                ],
                sem,
            )
        return carry

    lax.fori_loop(0, _IPC // 2, fire_body, 0)

    for _ in range(2):
        pltpu.make_async_copy(
            out_hbm.at[pl.ds(0, _H), pl.ds(0, 4096)],
            s0_sh.at[:, pl.ds(0, 4096)],
            sem,
        ).wait()


def kernel(feat_shape, biases):
    del feat_shape
    mesh = plsc.VectorSubcoreMesh(
        core_axis_name="c", subcore_axis_name="s",
        num_cores=_NC, num_subcores=_NS,
    )
    run = pl.kernel(
        _sc_body,
        out_type=jax.ShapeDtypeStruct((_HW, _HW), jnp.float32),
        mesh=mesh,
        scratch_types=[
            pltpu.VMEM((_K * _K + _L,), jnp.float32),
            pltpu.VMEM((8, _SW), jnp.float32),
            pltpu.VMEM((8, 16 * _W), jnp.float32),
            pltpu.VMEM_SHARED((_H, _SW), jnp.float32),
            pltpu.VMEM_SHARED((_H, _SW), jnp.float32),
            pltpu.SemaphoreType.DMA,
            pltpu.SemaphoreType.DMA,
        ],
    )
    return run(biases.reshape(_K * _K))

# --- scband reference (transcript-rebuilt; emitter-appended) ---
"""Pipeline reference for scband-sliding-pos-biases2-d-62560493633880 (READ-ONLY COPY).

The authoritative reference and input builder live on the scoring server;
editing this copy changes nothing except your own understanding.
"""

import jax, jax.numpy as jnp
import numpy as np

R = 7
K = 2 * R + 1
H = 64
W = 64

def setup_inputs(seed: int = 0) -> dict:
    key = jax.random.key(seed)
    feat_shape = jnp.array([H, W], dtype=jnp.int32)
    biases = jax.random.normal(jax.random.fold_in(key, 1), (K, K), dtype=jnp.float32)
    return {"feat_shape": feat_shape, "biases": biases}

def reference(feat_shape, biases):
    h = H
    w = W
    zero = (feat_shape[0] - H) + (feat_shape[1] - W)
    ii = (jnp.arange(h) + zero)[:, None, None, None]
    jj = (jnp.arange(w) + zero)[None, :, None, None]
    aa = jnp.arange(K)[None, None, :, None]
    bb = jnp.arange(K)[None, None, None, :]
    h1 = jnp.broadcast_to(ii, (h, w, K, K))
    w1 = jnp.broadcast_to(jj, (h, w, K, K))
    h2 = jnp.broadcast_to(ii + aa, (h, w, K, K))
    w2 = jnp.broadcast_to(jj + bb, (h, w, K, K))
    padded = jnp.zeros((h, w, h + 2 * R, w + 2 * R), dtype=biases.dtype)
    vals = jnp.broadcast_to(biases, (h, w, K, K))
    padded = padded.at[h1, w1, h2, w2].set(vals)
    pos_biases = padded[:, :, R:-R, R:-R]
    pos_biases = pos_biases.reshape(h * w, h * w)
    return pos_biases

if __name__ == "__main__":
    import jax
    _d = setup_inputs()
    print(jax.jit(kernel)(*tuple(_d.values())))

</pallas_src>

<mosaic_0001>
#map = affine_map<(d0, d1) -> (0)>
#map1 = affine_map<(d0, d1) -> (0, 0)>
module attributes {stable_mosaic.version = 14 : i64} {
  func.func @_sc_body(%arg0: i32, %arg1: i32, %arg2: memref<225xf32, #tpu.memory_space<hbm>>, %arg3: memref<4096x4096xf32, #tpu.memory_space<hbm>>, %arg4: memref<241xf32, #tpu.memory_space<vmem>>, %arg5: memref<8x6144xf32, #tpu.memory_space<vmem>>, %arg6: memref<8x1024xf32, #tpu.memory_space<vmem>>, %arg7: memref<64x6144xf32, #tpu.memory_space<vmem_shared>>, %arg8: memref<64x6144xf32, #tpu.memory_space<vmem_shared>>, %arg9: memref<!tpu.dma_semaphore, #tpu.memory_space<semaphore_mem>>, %arg10: memref<!tpu.dma_semaphore, #tpu.memory_space<semaphore_mem>>) attributes {dimension_semantics = [#tpu.dimension_semantics<core_parallel>, #tpu.dimension_semantics<subcore_parallel>], iteration_bounds = array<i64: 2, 16>, scalar_prefetch = 0 : i64, scratch_operands = 7 : i64, tpu.core_type = #tpu.core_type<sc_vector_subcore>, window_params = [{transform_indices = #map}, {transform_indices = #map1}]} {
    "tpu.region"() ({
      %run_scoped3A = tpu.sem_alloc : memref<!tpu.dma_semaphore, #tpu.memory_space<semaphore_mem>>
      %dma_start3A = arith.constant 0 : i32
      %dma_start3A_100 = tpu.memref_slice %arg4[%dma_start3A] : memref<241xf32, #tpu.memory_space<vmem>> -> memref<225xf32, #tpu.memory_space<vmem>>
      %dma_start3A_101 = arith.constant 0 : i32
      %dma_start3A_102 = tpu.memref_slice %arg4[%dma_start3A_101] : memref<241xf32, #tpu.memory_space<vmem>> -> memref<225xf32, #tpu.memory_space<vmem>>
      tpu.enqueue_dma source(%arg2 : memref<225xf32, #tpu.memory_space<hbm>>) target(%dma_start3A_102 : memref<225xf32, #tpu.memory_space<vmem>>) target_semaphore(%run_scoped3A : memref<!tpu.dma_semaphore, #tpu.memory_space<semaphore_mem>>)
      %dma_wait3A_103 = arith.constant 0 : i32
      %dma_wait3A_104 = tpu.memref_slice %arg4[%dma_wait3A_103] : memref<241xf32, #tpu.memory_space<vmem>> -> memref<225xf32, #tpu.memory_space<vmem>>
      %dma_wait3A_105 = arith.constant 0 : i32
      %dma_wait3A_106 = tpu.memref_slice %arg4[%dma_wait3A_105] : memref<241xf32, #tpu.memory_space<vmem>> -> memref<225xf32, #tpu.memory_space<vmem>>
      tpu.wait_dma2 semaphore(%run_scoped3A : memref<!tpu.dma_semaphore, #tpu.memory_space<semaphore_mem>>) src(%arg2 : memref<225xf32, #tpu.memory_space<hbm>>) dst(%dma_wait3A_106 : memref<225xf32, #tpu.memory_space<vmem>>)
      tpu.yield
    }) : () -> ()
    %jit3A = arith.constant 8 : i32
    %div3A = arith.divsi %arg1, %jit3A : i32
    %sign3A = arith.constant 0 : i32
    %sign3A_0 = arith.cmpi sgt, %arg1, %sign3A : i32
    %sign3A_1 = arith.extui %sign3A_0 : i1 to i32
    %sign3A_2 = arith.constant 0 : i32
    %sign3A_3 = arith.cmpi slt, %arg1, %sign3A_2 : i32
    %sign3A_4 = arith.extui %sign3A_3 : i1 to i32
    %sign3A_5 = arith.subi %sign3A_1, %sign3A_4 : i32
    %sign3A_6 = arith.constant 0 : i32
    %sign3A_7 = arith.cmpi sgt, %jit3A, %sign3A_6 : i32
    %sign3A_8 = arith.extui %sign3A_7 : i1 to i32
    %sign3A_9 = arith.constant 0 : i32
    %sign3A_10 = arith.cmpi slt, %jit3A, %sign3A_9 : i32
    %sign3A_11 = arith.extui %sign3A_10 : i1 to i32
    %sign3A_12 = arith.subi %sign3A_8, %sign3A_11 : i32
    %ne3A = arith.cmpi ne, %sign3A_5, %sign3A_12 : i32
    %rem3A = arith.remsi %arg1, %jit3A : i32
    %ne3A_13 = arith.constant 0 : i32
    %ne3A_14 = arith.cmpi ne, %rem3A, %ne3A_13 : i32
    %and3A = arith.andi %ne3A, %ne3A_14 : i1
    %sub3A = arith.constant 1 : i32
    %sub3A_15 = arith.subi %div3A, %sub3A : i32
    %select_n3A = arith.select %and3A, %sub3A_15, %div3A : i32
    %jit3A_16 = arith.constant 8 : i32
    %eq3A = arith.constant 0 : i32
    %eq3A_17 = arith.cmpi eq, %jit3A_16, %eq3A : i32
    %jit3A_18 = arith.constant 1 : i32
    %select_n3A_19 = arith.select %eq3A_17, %jit3A_18, %jit3A_16 : i32
    %rem3A_20 = arith.remsi %arg1, %select_n3A_19 : i32
    %ne3A_21 = arith.constant 0 : i32
    %ne3A_22 = arith.cmpi ne, %rem3A_20, %ne3A_21 : i32
    %lt3A = arith.constant 0 : i32
    %lt3A_23 = arith.cmpi slt, %rem3A_20, %lt3A : i32
    %lt3A_24 = arith.constant 0 : i32
    %lt3A_25 = arith.cmpi slt, %select_n3A_19, %lt3A_24 : i32
    %ne3A_26 = arith.xori %lt3A_23, %lt3A_25 : i1
    %and3A_27 = arith.andi %ne3A_26, %ne3A_22 : i1
    %add3A = arith.addi %rem3A_20, %select_n3A_19 : i32
    %select_n3A_28 = arith.select %and3A_27, %add3A, %rem3A_20 : i32
    %sub3A_29 = arith.constant 56 : i32
    %sub3A_30 = arith.subi %sub3A_29, %select_n3A : i32
    %sub3A_31 = arith.constant 1 : i32
    %sub3A_32 = arith.subi %sub3A_31, %arg0 : i32
    %mul3A = arith.constant 32 : i32
    %mul3A_33 = arith.muli %sub3A_32, %mul3A : i32
    %sub3A_34 = arith.subi %sub3A_30, %mul3A_33 : i32
    %broadcast_in_dim3A = arith.constant 0.000000e+00 : f32
    %broadcast_in_dim3A_35 = vector.broadcast %broadcast_in_dim3A : f32 to vector<16xf32>
    %scan3A = arith.constant 0 : i32
    %scan3A_36 = arith.constant 0 : i32
    %scan3A_37 = arith.constant 48 : i32
    %scan3A_38 = arith.addi %scan3A_36, %scan3A_37 : i32
    %scan3A_39 = arith.constant 1 : i32
    scf.for %scan3A_100 = %scan3A_36 to %scan3A_38 step %scan3A_39  : i32 {
      %mul3A_101 = arith.constant 128 : i32
      %mul3A_102 = arith.muli %scan3A_100, %mul3A_101 : i32
      %add3A_103 = arith.constant 0 : i32
      %add3A_104 = arith.addi %mul3A_102, %add3A_103 : i32
      %swap3A = arith.constant 0 : i32
      %swap3A_105 = arith.index_cast %swap3A : i32 to index
      %swap3A_106 = arith.index_cast %add3A_104 : i32 to index
      %swap3A_107 = tpu.vector_load %arg5[%swap3A_105, %swap3A_106] {strides = array<i32>} : memref<8x6144xf32, #tpu.memory_space<vmem>>, vector<1x16xf32>,
      %swap3A_108 = vector.shape_cast %swap3A_107 : vector<1x16xf32> to vector<16xf32>
      %swap3A_109 = vector.shape_cast %broadcast_in_dim3A_35 : vector<16xf32> to vector<1x16xf32>
      tpu.vector_store %arg5[%swap3A_105, %swap3A_106], %swap3A_109 {strides = array<i32>} : memref<8x6144xf32, #tpu.memory_space<vmem>>, vector<1x16xf32>,
      %mul3A_110 = arith.constant 128 : i32
      %mul3A_111 = arith.muli %scan3A_100, %mul3A_110 : i32
      %add3A_112 = arith.constant 16 : i32
      %add3A_113 = arith.addi %mul3A_111, %add3A_112 : i32
      %swap3A_114 = arith.constant 0 : i32
      %swap3A_115 = arith.index_cast %swap3A_114 : i32 to index
      %swap3A_116 = arith.index_cast %add3A_113 : i32 to index
      %swap3A_117 = tpu.vector_load %arg5[%swap3A_115, %swap3A_116] {strides = array<i32>} : memref<8x6144xf32, #tpu.memory_space<vmem>>, vector<1x16xf32>,
      %swap3A_118 = vector.shape_cast %swap3A_117 : vector<1x16xf32> to vector<16xf32>
      %swap3A_119 = vector.shape_cast %broadcast_in_dim3A_35 : vector<16xf32> to vector<1x16xf32>
      tpu.vector_store %arg5[%swap3A_115, %swap3A_116], %swap3A_119 {strides = array<i32>} : memref<8x6144xf32, #tpu.memory_space<vmem>>, vector<1x16xf32>,
      %mul3A_120 = arith.constant 128 : i32
      %mul3A_121 = arith.muli %scan3A_100, %mul3A_120 : i32
      %add3A_122 = arith.constant 32 : i32
      %add3A_123 = arith.addi %mul3A_121, %add3A_122 : i32
      %swap3A_124 = arith.constant 0 : i32
      %swap3A_125 = arith.index_cast %swap3A_124 : i32 to index
      %swap3A_126 = arith.index_cast %add3A_123 : i32 to index
      %swap3A_127 = tpu.vector_load %arg5[%swap3A_125, %swap3A_126] {strides = array<i32>} : memref<8x6144xf32, #tpu.memory_space<vmem>>, vector<1x16xf32>,
      %swap3A_128 = vector.shape_cast %swap3A_127 : vector<1x16xf32> to vector<16xf32>
      %swap3A_129 = vector.shape_cast %broadcast_in_dim3A_35 : vector<16xf32> to vector<1x16xf32>
      tpu.vector_store %arg5[%swap3A_125, %swap3A_126], %swap3A_129 {strides = array<i32>} : memref<8x6144xf32, #tpu.memory_space<vmem>>, vector<1x16xf32>,
      %mul3A_130 = arith.constant 128 : i32
      %mul3A_131 = arith.muli %scan3A_100, %mul3A_130 : i32
      %add3A_132 = arith.constant 48 : i32
      %add3A_133 = arith.addi %mul3A_131, %add3A_132 : i32
      %swap3A_134 = arith.constant 0 : i32
      %swap3A_135 = arith.index_cast %swap3A_134 : i32 to index
      %swap3A_136 = arith.index_cast %add3A_133 : i32 to index
      %swap3A_137 = tpu.vector_load %arg5[%swap3A_135, %swap3A_136] {strides = array<i32>} : memref<8x6144xf32, #tpu.memory_space<vmem>>, vector<1x16xf32>,
      %swap3A_138 = vector.shape_cast %swap3A_137 : vector<1x16xf32> to vector<16xf32>
      %swap3A_139 = vector.shape_cast %broadcast_in_dim3A_35 : vector<16xf32> to vector<1x16xf32>
      tpu.vector_store %arg5[%swap3A_135, %swap3A_136], %swap3A_139 {strides = array<i32>} : memref<8x6144xf32, #tpu.memory_space<vmem>>, vector<1x16xf32>,
      %mul3A_140 = arith.constant 128 : i32
      %mul3A_141 = arith.muli %scan3A_100, %mul3A_140 : i32
      %add3A_142 = arith.constant 64 : i32
      %add3A_143 = arith.addi %mul3A_141, %add3A_142 : i32
      %swap3A_144 = arith.constant 0 : i32
      %swap3A_145 = arith.index_cast %swap3A_144 : i32 to index
      %swap3A_146 = arith.index_cast %add3A_143 : i32 to index
      %swap3A_147 = tpu.vector_load %arg5[%swap3A_145, %swap3A_146] {strides = array<i32>} : memref<8x6144xf32, #tpu.memory_space<vmem>>, vector<1x16xf32>,
      %swap3A_148 = vector.shape_cast %swap3A_147 : vector<1x16xf32> to vector<16xf32>
      %swap3A_149 = vector.shape_cast %broadcast_in_dim3A_35 : vector<16xf32> to vector<1x16xf32>
      tpu.vector_store %arg5[%swap3A_145, %swap3A_146], %swap3A_149 {strides = array<i32>} : memref<8x6144xf32, #tpu.memory_space<vmem>>, vector<1x16xf32>,
      %mul3A_150 = arith.constant 128 : i32
      %mul3A_151 = arith.muli %scan3A_100, %mul3A_150 : i32
      %add3A_152 = arith.constant 80 : i32
      %add3A_153 = arith.addi %mul3A_151, %add3A_152 : i32
      %swap3A_154 = arith.constant 0 : i32
      %swap3A_155 = arith.index_cast %swap3A_154 : i32 to index
      %swap3A_156 = arith.index_cast %add3A_153 : i32 to index
      %swap3A_157 = tpu.vector_load %arg5[%swap3A_155, %swap3A_156] {strides = array<i32>} : memref<8x6144xf32, #tpu.memory_space<vmem>>, vector<1x16xf32>,
      %swap3A_158 = vector.shape_cast %swap3A_157 : vector<1x16xf32> to vector<16xf32>
      %swap3A_159 = vector.shape_cast %broadcast_in_dim3A_35 : vector<16xf32> to vector<1x16xf32>
      tpu.vector_store %arg5[%swap3A_155, %swap3A_156], %swap3A_159 {strides = array<i32>} : memref<8x6144xf32, #tpu.memory_space<vmem>>, vector<1x16xf32>,
      %mul3A_160 = arith.constant 128 : i32
      %mul3A_161 = arith.muli %scan3A_100, %mul3A_160 : i32
      %add3A_162 = arith.constant 96 : i32
      %add3A_163 = arith.addi %mul3A_161, %add3A_162 : i32
      %swap3A_164 = arith.constant 0 : i32
      %swap3A_165 = arith.index_cast %swap3A_164 : i32 to index
      %swap3A_166 = arith.index_cast %add3A_163 : i32 to index
      %swap3A_167 = tpu.vector_load %arg5[%swap3A_165, %swap3A_166] {strides = array<i32>} : memref<8x6144xf32, #tpu.memory_space<vmem>>, vector<1x16xf32>,
      %swap3A_168 = vector.shape_cast %swap3A_167 : vector<1x16xf32> to vector<16xf32>
      %swap3A_169 = vector.shape_cast %broadcast_in_dim3A_35 : vector<16xf32> to vector<1x16xf32>
      tpu.vector_store %arg5[%swap3A_165, %swap3A_166], %swap3A_169 {strides = array<i32>} : memref<8x6144xf32, #tpu.memory_space<vmem>>, vector<1x16xf32>,
      %mul3A_170 = arith.constant 128 : i32
      %mul3A_171 = arith.muli %scan3A_100, %mul3A_170 : i32
      %add3A_172 = arith.constant 112 : i32
      %add3A_173 = arith.addi %mul3A_171, %add3A_172 : i32
      %swap3A_174 = arith.constant 0 : i32
      %swap3A_175 = arith.index_cast %swap3A_174 : i32 to index
      %swap3A_176 = arith.index_cast %add3A_173 : i32 to index
      %swap3A_177 = tpu.vector_load %arg5[%swap3A_175, %swap3A_176] {strides = array<i32>} : memref<8x6144xf32, #tpu.memory_space<vmem>>, vector<1x16xf32>,
      %swap3A_178 = vector.shape_cast %swap3A_177 : vector<1x16xf32> to vector<16xf32>
      %swap3A_179 = vector.shape_cast %broadcast_in_dim3A_35 : vector<16xf32> to vector<1x16xf32>
      tpu.vector_store %arg5[%swap3A_175, %swap3A_176], %swap3A_179 {strides = array<i32>} : memref<8x6144xf32, #tpu.memory_space<vmem>>, vector<1x16xf32>,
      %mul3A_180 = arith.constant 128 : i32
      %mul3A_181 = arith.muli %scan3A_100, %mul3A_180 : i32
      %add3A_182 = arith.constant 0 : i32
      %add3A_183 = arith.addi %mul3A_181, %add3A_182 : i32
      %swap3A_184 = arith.constant 1 : i32
      %swap3A_185 = arith.index_cast %swap3A_184 : i32 to index
      %swap3A_186 = arith.index_cast %add3A_183 : i32 to index
      %swap3A_187 = tpu.vector_load %arg5[%swap3A_185, %swap3A_186] {strides = array<i32>} : memref<8x6144xf32, #tpu.memory_space<vmem>>, vector<1x16xf32>,
      %swap3A_188 = vector.shape_cast %swap3A_187 : vector<1x16xf32> to vector<16xf32>
      %swap3A_189 = vector.shape_cast %broadcast_in_dim3A_35 : vector<16xf32> to vector<1x16xf32>
      tpu.vector_store %arg5[%swap3A_185, %swap3A_186], %swap3A_189 {strides = array<i32>} : memref<8x6144xf32, #tpu.memory_space<vmem>>, vector<1x16xf32>,
      %mul3A_190 = arith.constant 128 : i32
      %mul3A_191 = arith.muli %scan3A_100, %mul3A_190 : i32
      %add3A_192 = arith.constant 16 : i32
      %add3A_193 = arith.addi %mul3A_191, %add3A_192 : i32
      %swap3A_194 = arith.constant 1 : i32
      %swap3A_195 = arith.index_cast %swap3A_194 : i32 to index
      %swap3A_196 = arith.index_cast %add3A_193 : i32 to index
      %swap3A_197 = tpu.vector_load %arg5[%swap3A_195, %swap3A_196] {strides = array<i32>} : memref<8x6144xf32, #tpu.memory_space<vmem>>, vector<1x16xf32>,
      %swap3A_198 = vector.shape_cast %swap3A_197 : vector<1x16xf32> to vector<16xf32>
      %swap3A_199 = vector.shape_cast %broadcast_in_dim3A_35 : vector<16xf32> to vector<1x16xf32>
      tpu.vector_store %arg5[%swap3A_195, %swap3A_196], %swap3A_199 {strides = array<i32>} : memref<8x6144xf32, #tpu.memory_space<vmem>>, vector<1x16xf32>,
      %mul3A_200 = arith.constant 128 : i32
      %mul3A_201 = arith.muli %scan3A_100, %mul3A_200 : i32
      %add3A_202 = arith.constant 32 : i32
      %add3A_203 = arith.addi %mul3A_201, %add3A_202 : i32
      %swap3A_204 = arith.constant 1 : i32
      %swap3A_205 = arith.index_cast %swap3A_204 : i32 to index
      %swap3A_206 = arith.index_cast %add3A_203 : i32 to index
      %swap3A_207 = tpu.vector_load %arg5[%swap3A_205, %swap3A_206] {strides = array<i32>} : memref<8x6144xf32, #tpu.memory_space<vmem>>, vector<1x16xf32>,
      %swap3A_208 = vector.shape_cast %swap3A_207 : vector<1x16xf32> to vector<16xf32>
      %swap3A_209 = vector.shape_cast %broadcast_in_dim3A_35 : vector<16xf32> to vector<1x16xf32>
      tpu.vector_store %arg5[%swap3A_205, %swap3A_206], %swap3A_209 {strides = array<i32>} : memref<8x6144xf32, #tpu.memory_space<vmem>>, vector<1x16xf32>,
      %mul3A_210 = arith.constant 128 : i32
      %mul3A_211 = arith.muli %scan3A_100, %mul3A_210 : i32
      %add3A_212 = arith.constant 48 : i32
      %add3A_213 = arith.addi %mul3A_211, %add3A_212 : i32
      %swap3A_214 = arith.constant 1 : i32
      %swap3A_215 = arith.index_cast %swap3A_214 : i32 to index
      %swap3A_216 = arith.index_cast %add3A_213 : i32 to index
      %swap3A_217 = tpu.vector_load %arg5[%swap3A_215, %swap3A_216] {strides = array<i32>} : memref<8x6144xf32, #tpu.memory_space<vmem>>, vector<1x16xf32>,
      %swap3A_218 = vector.shape_cast %swap3A_217 : vector<1x16xf32> to vector<16xf32>
      %swap3A_219 = vector.shape_cast %broadcast_in_dim3A_35 : vector<16xf32> to vector<1x16xf32>
      tpu.vector_store %arg5[%swap3A_215, %swap3A_216], %swap3A_219 {strides = array<i32>} : memref<8x6144xf32, #tpu.memory_space<vmem>>, vector<1x16xf32>,
      %mul3A_220 = arith.constant 128 : i32
      %mul3A_221 = arith.muli %scan3A_100, %mul3A_220 : i32
      %add3A_222 = arith.constant 64 : i32
      %add3A_223 = arith.addi %mul3A_221, %add3A_222 : i32
      %swap3A_224 = arith.constant 1 : i32
      %swap3A_225 = arith.index_cast %swap3A_224 : i32 to index
      %swap3A_226 = arith.index_cast %add3A_223 : i32 to index
      %swap3A_227 = tpu.vector_load %arg5[%swap3A_225, %swap3A_226] {strides = array<i32>} : memref<8x6144xf32, #tpu.memory_space<vmem>>, vector<1x16xf32>,
      %swap3A_228 = vector.shape_cast %swap3A_227 : vector<1x16xf32> to vector<16xf32>
      %swap3A_229 = vector.shape_cast %broadcast_in_dim3A_35 : vector<16xf32> to vector<1x16xf32>
      tpu.vector_store %arg5[%swap3A_225, %swap3A_226], %swap3A_229 {strides = array<i32>} : memref<8x6144xf32, #tpu.memory_space<vmem>>, vector<1x16xf32>,
      %mul3A_230 = arith.constant 128 : i32
      %mul3A_231 = arith.muli %scan3A_100, %mul3A_230 : i32
      %add3A_232 = arith.constant 80 : i32
      %add3A_233 = arith.addi %mul3A_231, %add3A_232 : i32
      %swap3A_234 = arith.constant 1 : i32
      %swap3A_235 = arith.index_cast %swap3A_234 : i32 to index
      %swap3A_236 = arith.index_cast %add3A_233 : i32 to index
      %swap3A_237 = tpu.vector_load %arg5[%swap3A_235, %swap3A_236] {strides = array<i32>} : memref<8x6144xf32, #tpu.memory_space<vmem>>, vector<1x16xf32>,
      %swap3A_238 = vector.shape_cast %swap3A_237 : vector<1x16xf32> to vector<16xf32>
      %swap3A_239 = vector.shape_cast %broadcast_in_dim3A_35 : vector<16xf32> to vector<1x16xf32>
      tpu.vector_store %arg5[%swap3A_235, %swap3A_236], %swap3A_239 {strides = array<i32>} : memref<8x6144xf32, #tpu.memory_space<vmem>>, vector<1x16xf32>,
      %mul3A_240 = arith.constant 128 : i32
      %mul3A_241 = arith.muli %scan3A_100, %mul3A_240 : i32
      %add3A_242 = arith.constant 96 : i32
      %add3A_243 = arith.addi %mul3A_241, %add3A_242 : i32
      %swap3A_244 = arith.constant 1 : i32
      %swap3A_245 = arith.index_cast %swap3A_244 : i32 to index
      %swap3A_246 = arith.index_cast %add3A_243 : i32 to index
      %swap3A_247 = tpu.vector_load %arg5[%swap3A_245, %swap3A_246] {strides = array<i32>} : memref<8x6144xf32, #tpu.memory_space<vmem>>, vector<1x16xf32>,
      %swap3A_248 = vector.shape_cast %swap3A_247 : vector<1x16xf32> to vector<16xf32>
      %swap3A_249 = vector.shape_cast %broadcast_in_dim3A_35 : vector<16xf32> to vector<1x16xf32>
      tpu.vector_store %arg5[%swap3A_245, %swap3A_246], %swap3A_249 {strides = array<i32>} : memref<8x6144xf32, #tpu.memory_space<vmem>>, vector<1x16xf32>,
      %mul3A_250 = arith.constant 128 : i32
      %mul3A_251 = arith.muli %scan3A_100, %mul3A_250 : i32
      %add3A_252 = arith.constant 112 : i32
      %add3A_253 = arith.addi %mul3A_251, %add3A_252 : i32
      %swap3A_254 = arith.constant 1 : i32
      %swap3A_255 = arith.index_cast %swap3A_254 : i32 to index
      %swap3A_256 = arith.index_cast %add3A_253 : i32 to index
      %swap3A_257 = tpu.vector_load %arg5[%swap3A_255, %swap3A_256] {strides = array<i32>} : memref<8x6144xf32, #tpu.memory_space<vmem>>, vector<1x16xf32>,
      %swap3A_258 = vector.shape_cast %swap3A_257 : vector<1x16xf32> to vector<16xf32>
      %swap3A_259 = vector.shape_cast %broadcast_in_dim3A_35 : vector<16xf32> to vector<1x16xf32>
      tpu.vector_store %arg5[%swap3A_255, %swap3A_256], %swap3A_259 {strides = array<i32>} : memref<8x6144xf32, #tpu.memory_space<vmem>>, vector<1x16xf32>,
      %mul3A_260 = arith.constant 128 : i32
      %mul3A_261 = arith.muli %scan3A_100, %mul3A_260 : i32
      %add3A_262 = arith.constant 0 : i32
      %add3A_263 = arith.addi %mul3A_261, %add3A_262 : i32
      %swap3A_264 = arith.constant 2 : i32
      %swap3A_265 = arith.index_cast %swap3A_264 : i32 to index
      %swap3A_266 = arith.index_cast %add3A_263 : i32 to index
      %swap3A_267 = tpu.vector_load %arg5[%swap3A_265, %swap3A_266] {strides = array<i32>} : memref<8x6144xf32, #tpu.memory_space<vmem>>, vector<1x16xf32>,
      %swap3A_268 = vector.shape_cast %swap3A_267 : vector<1x16xf32> to vector<16xf32>
      %swap3A_269 = vector.shape_cast %broadcast_in_dim3A_35 : vector<16xf32> to vector<1x16xf32>
      tpu.vector_store %arg5[%swap3A_265, %swap3A_266], %swap3A_269 {strides = array<i32>} : memref<8x6144xf32, #tpu.memory_space<vmem>>, vector<1x16xf32>,
      %mul3A_270 = arith.constant 128 : i32
      %mul3A_271 = arith.muli %scan3A_100, %mul3A_270 : i32
      %add3A_272 = arith.constant 16 : i32
      %add3A_273 = arith.addi %mul3A_271, %add3A_272 : i32
      %swap3A_274 = arith.constant 2 : i32
      %swap3A_275 = arith.index_cast %swap3A_274 : i32 to index
      %swap3A_276 = arith.index_cast %add3A_273 : i32 to index
      %swap3A_277 = tpu.vector_load %arg5[%swap3A_275, %swap3A_276] {strides = array<i32>} : memref<8x6144xf32, #tpu.memory_space<vmem>>, vector<1x16xf32>,
      %swap3A_278 = vector.shape_cast %swap3A_277 : vector<1x16xf32> to vector<16xf32>
      %swap3A_279 = vector.shape_cast %broadcast_in_dim3A_35 : vector<16xf32> to vector<1x16xf32>
      tpu.vector_store %arg5[%swap3A_275, %swap3A_276], %swap3A_279 {strides = array<i32>} : memref<8x6144xf32, #tpu.memory_space<vmem>>, vector<1x16xf32>,
      %mul3A_280 = arith.constant 128 : i32
      %mul3A_281 = arith.muli %scan3A_100, %mul3A_280 : i32
      %add3A_282 = arith.constant 32 : i32
      %add3A_283 = arith.addi %mul3A_281, %add3A_282 : i32
      %swap3A_284 = arith.constant 2 : i32
      %swap3A_285 = arith.index_cast %swap3A_284 : i32 to index
      %swap3A_286 = arith.index_cast %add3A_283 : i32 to index
      %swap3A_287 = tpu.vector_load %arg5[%swap3A_285, %swap3A_286] {strides = array<i32>} : memref<8x6144xf32, #tpu.memory_space<vmem>>, vector<1x16xf32>,
      %swap3A_288 = vector.shape_cast %swap3A_287 : vector<1x16xf32> to vector<16xf32>
      %swap3A_289 = vector.shape_cast %broadcast_in_dim3A_35 : vector<16xf32> to vector<1x16xf32>
      tpu.vector_store %arg5[%swap3A_285, %swap3A_286], %swap3A_289 {strides = array<i32>} : memref<8x6144xf32, #tpu.memory_space<vmem>>, vector<1x16xf32>,
      %mul3A_290 = arith.constant 128 : i32
      %mul3A_291 = arith.muli %scan3A_100, %mul3A_290 : i32
      %add3A_292 = arith.constant 48 : i32
      %add3A_293 = arith.addi %mul3A_291, %add3A_292 : i32
      %swap3A_294 = arith.constant 2 : i32
      %swap3A_295 = arith.index_cast %swap3A_294 : i32 to index
      %swap3A_296 = arith.index_cast %add3A_293 : i32 to index
      %swap3A_297 = tpu.vector_load %arg5[%swap3A_295, %swap3A_296] {strides = array<i32>} : memref<8x6144xf32, #tpu.memory_space<vmem>>, vector<1x16xf32>,
      %swap3A_298 = vector.shape_cast %swap3A_297 : vector<1x16xf32> to vector<16xf32>
      %swap3A_299 = vector.shape_cast %broadcast_in_dim3A_35 : vector<16xf32> to vector<1x16xf32>
      tpu.vector_store %arg5[%swap3A_295, %swap3A_296], %swap3A_299 {strides = array<i32>} : memref<8x6144xf32, #tpu.memory_space<vmem>>, vector<1x16xf32>,
      %mul3A_300 = arith.constant 128 : i32
      %mul3A_301 = arith.muli %scan3A_100, %mul3A_300 : i32
      %add3A_302 = arith.constant 64 : i32
      %add3A_303 = arith.addi %mul3A_301, %add3A_302 : i32
      %swap3A_304 = arith.constant 2 : i32
      %swap3A_305 = arith.index_cast %swap3A_304 : i32 to index
      %swap3A_306 = arith.index_cast %add3A_303 : i32 to index
      %swap3A_307 = tpu.vector_load %arg5[%swap3A_305, %swap3A_306] {strides = array<i32>} : memref<8x6144xf32, #tpu.memory_space<vmem>>, vector<1x16xf32>,
      %swap3A_308 = vector.shape_cast %swap3A_307 : vector<1x16xf32> to vector<16xf32>
      %swap3A_309 = vector.shape_cast %broadcast_in_dim3A_35 : vector<16xf32> to vector<1x16xf32>
      tpu.vector_store %arg5[%swap3A_305, %swap3A_306], %swap3A_309 {strides = array<i32>} : memref<8x6144xf32, #tpu.memory_space<vmem>>, vector<1x16xf32>,
      %mul3A_310 = arith.constant 128 : i32
      %mul3A_311 = arith.muli %scan3A_100, %mul3A_310 : i32
      %add3A_312 = arith.constant 80 : i32
      %add3A_313 = arith.addi %mul3A_311, %add3A_312 : i32
      %swap3A_314 = arith.constant 2 : i32
      %swap3A_315 = arith.index_cast %swap3A_314 : i32 to index
      %swap3A_316 = arith.index_cast %add3A_313 : i32 to index
      %swap3A_317 = tpu.vector_load %arg5[%swap3A_315, %swap3A_316] {strides = array<i32>} : memref<8x6144xf32, #tpu.memory_space<vmem>>, vector<1x16xf32>,
      %swap3A_318 = vector.shape_cast %swap3A_317 : vector<1x16xf32> to vector<16xf32>
      %swap3A_319 = vector.shape_cast %broadcast_in_dim3A_35 : vector<16xf32> to vector<1x16xf32>
      tpu.vector_store %arg5[%swap3A_315, %swap3A_316], %swap3A_319 {strides = array<i32>} : memref<8x6144xf32, #tpu.memory_space<vmem>>, vector<1x16xf32>,
      %mul3A_320 = arith.constant 128 : i32
      %mul3A_321 = arith.muli %scan3A_100, %mul3A_320 : i32
      %add3A_322 = arith.constant 96 : i32
      %add3A_323 = arith.addi %mul3A_321, %add3A_322 : i32
      %swap3A_324 = arith.constant 2 : i32
      %swap3A_325 = arith.index_cast %swap3A_324 : i32 to index
      %swap3A_326 = arith.index_cast %add3A_323 : i32 to index
      %swap3A_327 = tpu.vector_load %arg5[%swap3A_325, %swap3A_326] {strides = array<i32>} : memref<8x6144xf32, #tpu.memory_space<vmem>>, vector<1x16xf32>,
      %swap3A_328 = vector.shape_cast %swap3A_327 : vector<1x16xf32> to vector<16xf32>
      %swap3A_329 = vector.shape_cast %broadcast_in_dim3A_35 : vector<16xf32> to vector<1x16xf32>
      tpu.vector_store %arg5[%swap3A_325, %swap3A_326], %swap3A_329 {strides = array<i32>} : memref<8x6144xf32, #tpu.memory_space<vmem>>, vector<1x16xf32>,
      %mul3A_330 = arith.constant 128 : i32
      %mul3A_331 = arith.muli %scan3A_100, %mul3A_330 : i32
      %add3A_332 = arith.constant 112 : i32
      %add3A_333 = arith.addi %mul3A_331, %add3A_332 : i32
      %swap3A_334 = arith.constant 2 : i32
      %swap3A_335 = arith.index_cast %swap3A_334 : i32 to index
      %swap3A_336 = arith.index_cast %add3A_333 : i32 to index
      %swap3A_337 = tpu.vector_load %arg5[%swap3A_335, %swap3A_336] {strides = array<i32>} : memref<8x6144xf32, #tpu.memory_space<vmem>>, vector<1x16xf32>,
      %swap3A_338 = vector.shape_cast %swap3A_337 : vector<1x16xf32> to vector<16xf32>
      %swap3A_339 = vector.shape_cast %broadcast_in_dim3A_35 : vector<16xf32> to vector<1x16xf32>
      tpu.vector_store %arg5[%swap3A_335, %swap3A_336], %swap3A_339 {strides = array<i32>} : memref<8x6144xf32, #tpu.memory_space<vmem>>, vector<1x16xf32>,
      %mul3A_340 = arith.constant 128 : i32
      %mul3A_341 = arith.muli %scan3A_100, %mul3A_340 : i32
      %add3A_342 = arith.constant 0 : i32
      %add3A_343 = arith.addi %mul3A_341, %add3A_342 : i32
      %swap3A_344 = arith.constant 3 : i32
      %swap3A_345 = arith.index_cast %swap3A_344 : i32 to index
      %swap3A_346 = arith.index_cast %add3A_343 : i32 to index
      %swap3A_347 = tpu.vector_load %arg5[%swap3A_345, %swap3A_346] {strides = array<i32>} : memref<8x6144xf32, #tpu.memory_space<vmem>>, vector<1x16xf32>,
      %swap3A_348 = vector.shape_cast %swap3A_347 : vector<1x16xf32> to vector<16xf32>
      %swap3A_349 = vector.shape_cast %broadcast_in_dim3A_35 : vector<16xf32> to vector<1x16xf32>
      tpu.vector_store %arg5[%swap3A_345, %swap3A_346], %swap3A_349 {strides = array<i32>} : memref<8x6144xf32, #tpu.memory_space<vmem>>, vector<1x16xf32>,
      %mul3A_350 = arith.constant 128 : i32
      %mul3A_351 = arith.muli %scan3A_100, %mul3A_350 : i32
      %add3A_352 = arith.constant 16 : i32
      %add3A_353 = arith.addi %mul3A_351, %add3A_352 : i32
      %swap3A_354 = arith.constant 3 : i32
      %swap3A_355 = arith.index_cast %swap3A_354 : i32 to index
      %swap3A_356 = arith.index_cast %add3A_353 : i32 to index
      %swap3A_357 = tpu.vector_load %arg5[%swap3A_355, %swap3A_356] {strides = array<i32>} : memref<8x6144xf32, #tpu.memory_space<vmem>>, vector<1x16xf32>,
      %swap3A_358 = vector.shape_cast %swap3A_357 : vector<1x16xf32> to vector<16xf32>
      %swap3A_359 = vector.shape_cast %broadcast_in_dim3A_35 : vector<16xf32> to vector<1x16xf32>
      tpu.vector_store %arg5[%swap3A_355, %swap3A_356], %swap3A_359 {strides = array<i32>} : memref<8x6144xf32, #tpu.memory_space<vmem>>, vector<1x16xf32>,
      %mul3A_360 = arith.constant 128 : i32
      %mul3A_361 = arith.muli %scan3A_100, %mul3A_360 : i32
      %add3A_362 = arith.constant 32 : i32
      %add3A_363 = arith.addi %mul3A_361, %add3A_362 : i32
      %swap3A_364 = arith.constant 3 : i32
      %swap3A_365 = arith.index_cast %swap3A_364 : i32 to index
      %swap3A_366 = arith.index_cast %add3A_363 : i32 to index
      %swap3A_367 = tpu.vector_load %arg5[%swap3A_365, %swap3A_366] {strides = array<i32>} : memref<8x6144xf32, #tpu.memory_space<vmem>>, vector<1x16xf32>,
      %swap3A_368 = vector.shape_cast %swap3A_367 : vector<1x16xf32> to vector<16xf32>
      %swap3A_369 = vector.shape_cast %broadcast_in_dim3A_35 : vector<16xf32> to vector<1x16xf32>
      tpu.vector_store %arg5[%swap3A_365, %swap3A_366], %swap3A_369 {strides = array<i32>} : memref<8x6144xf32, #tpu.memory_space<vmem>>, vector<1x16xf32>,
      %mul3A_370 = arith.constant 128 : i32
      %mul3A_371 = arith.muli %scan3A_100, %mul3A_370 : i32
      %add3A_372 = arith.constant 48 : i32
      %add3A_373 = arith.addi %mul3A_371, %add3A_372 : i32
      %swap3A_374 = arith.constant 3 : i32
      %swap3A_375 = arith.index_cast %swap3A_374 : i32 to index
      %swap3A_376 = arith.index_cast %add3A_373 : i32 to index
      %swap3A_377 = tpu.vector_load %arg5[%swap3A_375, %swap3A_376] {strides = array<i32>} : memref<8x6144xf32, #tpu.memory_space<vmem>>, vector<1x16xf32>,
      %swap3A_378 = vector.shape_cast %swap3A_377 : vector<1x16xf32> to vector<16xf32>
      %swap3A_379 = vector.shape_cast %broadcast_in_dim3A_35 : vector<16xf32> to vector<1x16xf32>
      tpu.vector_store %arg5[%swap3A_375, %swap3A_376], %swap3A_379 {strides = array<i32>} : memref<8x6144xf32, #tpu.memory_space<vmem>>, vector<1x16xf32>,
      %mul3A_380 = arith.constant 128 : i32
      %mul3A_381 = arith.muli %scan3A_100, %mul3A_380 : i32
      %add3A_382 = arith.constant 64 : i32
      %add3A_383 = arith.addi %mul3A_381, %add3A_382 : i32
      %swap3A_384 = arith.constant 3 : i32
      %swap3A_385 = arith.index_cast %swap3A_384 : i32 to index
      %swap3A_386 = arith.index_cast %add3A_383 : i32 to index
      %swap3A_387 = tpu.vector_load %arg5[%swap3A_385, %swap3A_386] {strides = array<i32>} : memref<8x6144xf32, #tpu.memory_space<vmem>>, vector<1x16xf32>,
      %swap3A_388 = vector.shape_cast %swap3A_387 : vector<1x16xf32> to vector<16xf32>
      %swap3A_389 = vector.shape_cast %broadcast_in_dim3A_35 : vector<16xf32> to vector<1x16xf32>
      tpu.vector_store %arg5[%swap3A_385, %swap3A_386], %swap3A_389 {strides = array<i32>} : memref<8x6144xf32, #tpu.memory_space<vmem>>, vector<1x16xf32>,
      %mul3A_390 = arith.constant 128 : i32
      %mul3A_391 = arith.muli %scan3A_100, %mul3A_390 : i32
      %add3A_392 = arith.constant 80 : i32
      %add3A_393 = arith.addi %mul3A_391, %add3A_392 : i32
      %swap3A_394 = arith.constant 3 : i32
      %swap3A_395 = arith.index_cast %swap3A_394 : i32 to index
      %swap3A_396 = arith.index_cast %add3A_393 : i32 to index
      %swap3A_397 = tpu.vector_load %arg5[%swap3A_395, %swap3A_396] {strides = array<i32>} : memref<8x6144xf32, #tpu.memory_space<vmem>>, vector<1x16xf32>,
      %swap3A_398 = vector.shape_cast %swap3A_397 : vector<1x16xf32> to vector<16xf32>
      %swap3A_399 = vector.shape_cast %broadcast_in_dim3A_35 : vector<16xf32> to vector<1x16xf32>
      tpu.vector_store %arg5[%swap3A_395, %swap3A_396], %swap3A_399 {strides = array<i32>} : memref<8x6144xf32, #tpu.memory_space<vmem>>, vector<1x16xf32>,
      %mul3A_400 = arith.constant 128 : i32
      %mul3A_401 = arith.muli %scan3A_100, %mul3A_400 : i32
      %add3A_402 = arith.constant 96 : i32
      %add3A_403 = arith.addi %mul3A_401, %add3A_402 : i32
      %swap3A_404 = arith.constant 3 : i32
      %swap3A_405 = arith.index_cast %swap3A_404 : i32 to index
      %swap3A_406 = arith.index_cast %add3A_403 : i32 to index
      %swap3A_407 = tpu.vector_load %arg5[%swap3A_405, %swap3A_406] {strides = array<i32>} : memref<8x6144xf32, #tpu.memory_space<vmem>>, vector<1x16xf32>,
      %swap3A_408 = vector.shape_cast %swap3A_407 : vector<1x16xf32> to vector<16xf32>
      %swap3A_409 = vector.shape_cast %broadcast_in_dim3A_35 : vector<16xf32> to vector<1x16xf32>
      tpu.vector_store %arg5[%swap3A_405, %swap3A_406], %swap3A_409 {strides = array<i32>} : memref<8x6144xf32, #tpu.memory_space<vmem>>, vector<1x16xf32>,
      %mul3A_410 = arith.constant 128 : i32
      %mul3A_411 = arith.muli %scan3A_100, %mul3A_410 : i32
      %add3A_412 = arith.constant 112 : i32
      %add3A_413 = arith.addi %mul3A_411, %add3A_412 : i32
      %swap3A_414 = arith.constant 3 : i32
      %swap3A_415 = arith.index_cast %swap3A_414 : i32 to index
      %swap3A_416 = arith.index_cast %add3A_413 : i32 to index
      %swap3A_417 = tpu.vector_load %arg5[%swap3A_415, %swap3A_416] {strides = array<i32>} : memref<8x6144xf32, #tpu.memory_space<vmem>>, vector<1x16xf32>,
      %swap3A_418 = vector.shape_cast %swap3A_417 : vector<1x16xf32> to vector<16xf32>
      %swap3A_419 = vector.shape_cast %broadcast_in_dim3A_35 : vector<16xf32> to vector<1x16xf32>
      tpu.vector_store %arg5[%swap3A_415, %swap3A_416], %swap3A_419 {strides = array<i32>} : memref<8x6144xf32, #tpu.memory_space<vmem>>, vector<1x16xf32>,
      %mul3A_420 = arith.constant 128 : i32
      %mul3A_421 = arith.muli %scan3A_100, %mul3A_420 : i32
      %add3A_422 = arith.constant 0 : i32
      %add3A_423 = arith.addi %mul3A_421, %add3A_422 : i32
      %swap3A_424 = arith.constant 4 : i32
      %swap3A_425 = arith.index_cast %swap3A_424 : i32 to index
      %swap3A_426 = arith.index_cast %add3A_423 : i32 to index
      %swap3A_427 = tpu.vector_load %arg5[%swap3A_425, %swap3A_426] {strides = array<i32>} : memref<8x6144xf32, #tpu.memory_space<vmem>>, vector<1x16xf32>,
      %swap3A_428 = vector.shape_cast %swap3A_427 : vector<1x16xf32> to vector<16xf32>
      %swap3A_429 = vector.shape_cast %broadcast_in_dim3A_35 : vector<16xf32> to vector<1x16xf32>
      tpu.vector_store %arg5[%swap3A_425, %swap3A_426], %swap3A_429 {strides = array<i32>} : memref<8x6144xf32, #tpu.memory_space<vmem>>, vector<1x16xf32>,
      %mul3A_430 = arith.constant 128 : i32
      %mul3A_431 = arith.muli %scan3A_100, %mul3A_430 : i32
      %add3A_432 = arith.constant 16 : i32
      %add3A_433 = arith.addi %mul3A_431, %add3A_432 : i32
      %swap3A_434 = arith.constant 4 : i32
      %swap3A_435 = arith.index_cast %swap3A_434 : i32 to index
      %swap3A_436 = arith.index_cast %add3A_433 : i32 to index
      %swap3A_437 = tpu.vector_load %arg5[%swap3A_435, %swap3A_436] {strides = array<i32>} : memref<8x6144xf32, #tpu.memory_space<vmem>>, vector<1x16xf32>,
      %swap3A_438 = vector.shape_cast %swap3A_437 : vector<1x16xf32> to vector<16xf32>
      %swap3A_439 = vector.shape_cast %broadcast_in_dim3A_35 : vector<16xf32> to vector<1x16xf32>
      tpu.vector_store %arg5[%swap3A_435, %swap3A_436], %swap3A_439 {strides = array<i32>} : memref<8x6144xf32, #tpu.memory_space<vmem>>, vector<1x16xf32>,
      %mul3A_440 = arith.constant 128 : i32
      %mul3A_441 = arith.muli %scan3A_100, %mul3A_440 : i32
      %add3A_442 = arith.constant 32 : i32
      %add3A_443 = arith.addi %mul3A_441, %add3A_442 : i32
      %swap3A_444 = arith.constant 4 : i32
      %swap3A_445 = arith.index_cast %swap3A_444 : i32 to index
      %swap3A_446 = arith.index_cast %add3A_443 : i32 to index
      %swap3A_447 = tpu.vector_load %arg5[%swap3A_445, %swap3A_446] {strides = array<i32>} : memref<8x6144xf32, #tpu.memory_space<vmem>>, vector<1x16xf32>,
      %swap3A_448 = vector.shape_cast %swap3A_447 : vector<1x16xf32> to vector<16xf32>
      %swap3A_449 = vector.shape_cast %broadcast_in_dim3A_35 : vector<16xf32> to vector<1x16xf32>
      tpu.vector_store %arg5[%swap3A_445, %swap3A_446], %swap3A_449 {strides = array<i32>} : memref<8x6144xf32, #tpu.memory_space<vmem>>, vector<1x16xf32>,
      %mul3A_450 = arith.constant 128 : i32
      %mul3A_451 = arith.muli %scan3A_100, %mul3A_450 : i32
      %add3A_452 = arith.constant 48 : i32
      %add3A_453 = arith.addi %mul3A_451, %add3A_452 : i32
      %swap3A_454 = arith.constant 4 : i32
      %swap3A_455 = arith.index_cast %swap3A_454 : i32 to index
      %swap3A_456 = arith.index_cast %add3A_453 : i32 to index
      %swap3A_457 = tpu.vector_load %arg5[%swap3A_455, %swap3A_456] {strides = array<i32>} : memref<8x6144xf32, #tpu.memory_space<vmem>>, vector<1x16xf32>,
      %swap3A_458 = vector.shape_cast %swap3A_457 : vector<1x16xf32> to vector<16xf32>
      %swap3A_459 = vector.shape_cast %broadcast_in_dim3A_35 : vector<16xf32> to vector<1x16xf32>
      tpu.vector_store %arg5[%swap3A_455, %swap3A_456], %swap3A_459 {strides = array<i32>} : memref<8x6144xf32, #tpu.memory_space<vmem>>, vector<1x16xf32>,
      %mul3A_460 = arith.constant 128 : i32
      %mul3A_461 = arith.muli %scan3A_100, %mul3A_460 : i32
      %add3A_462 = arith.constant 64 : i32
      %add3A_463 = arith.addi %mul3A_461, %add3A_462 : i32
      %swap3A_464 = arith.constant 4 : i32
      %swap3A_465 = arith.index_cast %swap3A_464 : i32 to index
      %swap3A_466 = arith.index_cast %add3A_463 : i32 to index
      %swap3A_467 = tpu.vector_load %arg5[%swap3A_465, %swap3A_466] {strides = array<i32>} : memref<8x6144xf32, #tpu.memory_space<vmem>>, vector<1x16xf32>,
      %swap3A_468 = vector.shape_cast %swap3A_467 : vector<1x16xf32> to vector<16xf32>
      %swap3A_469 = vector.shape_cast %broadcast_in_dim3A_35 : vector<16xf32> to vector<1x16xf32>
      tpu.vector_store %arg5[%swap3A_465, %swap3A_466], %swap3A_469 {strides = array<i32>} : memref<8x6144xf32, #tpu.memory_space<vmem>>, vector<1x16xf32>,
      %mul3A_470 = arith.constant 128 : i32
      %mul3A_471 = arith.muli %scan3A_100, %mul3A_470 : i32
      %add3A_472 = arith.constant 80 : i32
      %add3A_473 = arith.addi %mul3A_471, %add3A_472 : i32
      %swap3A_474 = arith.constant 4 : i32
      %swap3A_475 = arith.index_cast %swap3A_474 : i32 to index
      %swap3A_476 = arith.index_cast %add3A_473 : i32 to index
      %swap3A_477 = tpu.vector_load %arg5[%swap3A_475, %swap3A_476] {strides = array<i32>} : memref<8x6144xf32, #tpu.memory_space<vmem>>, vector<1x16xf32>,
      %swap3A_478 = vector.shape_cast %swap3A_477 : vector<1x16xf32> to vector<16xf32>
      %swap3A_479 = vector.shape_cast %broadcast_in_dim3A_35 : vector<16xf32> to vector<1x16xf32>
      tpu.vector_store %arg5[%swap3A_475, %swap3A_476], %swap3A_479 {strides = array<i32>} : memref<8x6144xf32, #tpu.memory_space<vmem>>, vector<1x16xf32>,
      %mul3A_480 = arith.constant 128 : i32
      %mul3A_481 = arith.muli %scan3A_100, %mul3A_480 : i32
      %add3A_482 = arith.constant 96 : i32
      %add3A_483 = arith.addi %mul3A_481, %add3A_482 : i32
      %swap3A_484 = arith.constant 4 : i32
      %swap3A_485 = arith.index_cast %swap3A_484 : i32 to index
      %swap3A_486 = arith.index_cast %add3A_483 : i32 to index
      %swap3A_487 = tpu.vector_load %arg5[%swap3A_485, %swap3A_486] {strides = array<i32>} : memref<8x6144xf32, #tpu.memory_space<vmem>>, vector<1x16xf32>,
      %swap3A_488 = vector.shape_cast %swap3A_487 : vector<1x16xf32> to vector<16xf32>
      %swap3A_489 = vector.shape_cast %broadcast_in_dim3A_35 : vector<16xf32> to vector<1x16xf32>
      tpu.vector_store %arg5[%swap3A_485, %swap3A_486], %swap3A_489 {strides = array<i32>} : memref<8x6144xf32, #tpu.memory_space<vmem>>, vector<1x16xf32>,
      %mul3A_490 = arith.constant 128 : i32
      %mul3A_491 = arith.muli %scan3A_100, %mul3A_490 : i32
      %add3A_492 = arith.constant 112 : i32
      %add3A_493 = arith.addi %mul3A_491, %add3A_492 : i32
      %swap3A_494 = arith.constant 4 : i32
      %swap3A_495 = arith.index_cast %swap3A_494 : i32 to index
      %swap3A_496 = arith.index_cast %add3A_493 : i32 to index
      %swap3A_497 = tpu.vector_load %arg5[%swap3A_495, %swap3A_496] {strides = array<i32>} : memref<8x6144xf32, #tpu.memory_space<vmem>>, vector<1x16xf32>,
      %swap3A_498 = vector.shape_cast %swap3A_497 : vector<1x16xf32> to vector<16xf32>
      %swap3A_499 = vector.shape_cast %broadcast_in_dim3A_35 : vector<16xf32> to vector<1x16xf32>
      tpu.vector_store %arg5[%swap3A_495, %swap3A_496], %swap3A_499 {strides = array<i32>} : memref<8x6144xf32, #tpu.memory_space<vmem>>, vector<1x16xf32>,
      %mul3A_500 = arith.constant 128 : i32
      %mul3A_501 = arith.muli %scan3A_100, %mul3A_500 : i32
      %add3A_502 = arith.constant 0 : i32
      %add3A_503 = arith.addi %mul3A_501, %add3A_502 : i32
      %swap3A_504 = arith.constant 5 : i32
      %swap3A_505 = arith.index_cast %swap3A_504 : i32 to index
      %swap3A_506 = arith.index_cast %add3A_503 : i32 to index
      %swap3A_507 = tpu.vector_load %arg5[%swap3A_505, %swap3A_506] {strides = array<i32>} : memref<8x6144xf32, #tpu.memory_space<vmem>>, vector<1x16xf32>,
      %swap3A_508 = vector.shape_cast %swap3A_507 : vector<1x16xf32> to vector<16xf32>
      %swap3A_509 = vector.shape_cast %broadcast_in_dim3A_35 : vector<16xf32> to vector<1x16xf32>
      tpu.vector_store %arg5[%swap3A_505, %swap3A_506], %swap3A_509 {strides = array<i32>} : memref<8x6144xf32, #tpu.memory_space<vmem>>, vector<1x16xf32>,
      %mul3A_510 = arith.constant 128 : i32
      %mul3A_511 = arith.muli %scan3A_100, %mul3A_510 : i32
      %add3A_512 = arith.constant 16 : i32
      %add3A_513 = arith.addi %mul3A_511, %add3A_512 : i32
      %swap3A_514 = arith.constant 5 : i32
      %swap3A_515 = arith.index_cast %swap3A_514 : i32 to index
      %swap3A_516 = arith.index_cast %add3A_513 : i32 to index
      %swap3A_517 = tpu.vector_load %arg5[%swap3A_515, %swap3A_516] {strides = array<i32>} : memref<8x6144xf32, #tpu.memory_space<vmem>>, vector<1x16xf32>,
      %swap3A_518 = vector.shape_cast %swap3A_517 : vector<1x16xf32> to vector<16xf32>
      %swap3A_519 = vector.shape_cast %broadcast_in_dim3A_35 : vector<16xf32> to vector<1x16xf32>
      tpu.vector_store %arg5[%swap3A_515, %swap3A_516], %swap3A_519 {strides = array<i32>} : memref<8x6144xf32, #tpu.memory_space<vmem>>, vector<1x16xf32>,
      %mul3A_520 = arith.constant 128 : i32
      %mul3A_521 = arith.muli %scan3A_100, %mul3A_520 : i32
      %add3A_522 = arith.constant 32 : i32
      %add3A_523 = arith.addi %mul3A_521, %add3A_522 : i32
      %swap3A_524 = arith.constant 5 : i32
      %swap3A_525 = arith.index_cast %swap3A_524 : i32 to index
      %swap3A_526 = arith.index_cast %add3A_523 : i32 to index
      %swap3A_527 = tpu.vector_load %arg5[%swap3A_525, %swap3A_526] {strides = array<i32>} : memref<8x6144xf32, #tpu.memory_space<vmem>>, vector<1x16xf32>,
      %swap3A_528 = vector.shape_cast %swap3A_527 : vector<1x16xf32> to vector<16xf32>
      %swap3A_529 = vector.shape_cast %broadcast_in_dim3A_35 : vector<16xf32> to vector<1x16xf32>
      tpu.vector_store %arg5[%swap3A_525, %swap3A_526], %swap3A_529 {strides = array<i32>} : memref<8x6144xf32, #tpu.memory_space<vmem>>, vector<1x16xf32>,
      %mul3A_530 = arith.constant 128 : i32
      %mul3A_531 = arith.muli %scan3A_100, %mul3A_530 : i32
      %add3A_532 = arith.constant 48 : i32
      %add3A_533 = arith.addi %mul3A_531, %add3A_532 : i32
      %swap3A_534 = arith.constant 5 : i32
      %swap3A_535 = arith.index_cast %swap3A_534 : i32 to index
      %swap3A_536 = arith.index_cast %add3A_533 : i32 to index
      %swap3A_537 = tpu.vector_load %arg5[%swap3A_535, %swap3A_536] {strides = array<i32>} : memref<8x6144xf32, #tpu.memory_space<vmem>>, vector<1x16xf32>,
      %swap3A_538 = vector.shape_cast %swap3A_537 : vector<1x16xf32> to vector<16xf32>
      %swap3A_539 = vector.shape_cast %broadcast_in_dim3A_35 : vector<16xf32> to vector<1x16xf32>
      tpu.vector_store %arg5[%swap3A_535, %swap3A_536], %swap3A_539 {strides = array<i32>} : memref<8x6144xf32, #tpu.memory_space<vmem>>, vector<1x16xf32>,
      %mul3A_540 = arith.constant 128 : i32
      %mul3A_541 = arith.muli %scan3A_100, %mul3A_540 : i32
      %add3A_542 = arith.constant 64 : i32
      %add3A_543 = arith.addi %mul3A_541, %add3A_542 : i32
      %swap3A_544 = arith.constant 5 : i32
      %swap3A_545 = arith.index_cast %swap3A_544 : i32 to index
      %swap3A_546 = arith.index_cast %add3A_543 : i32 to index
      %swap3A_547 = tpu.vector_load %arg5[%swap3A_545, %swap3A_546] {strides = array<i32>} : memref<8x6144xf32, #tpu.memory_space<vmem>>, vector<1x16xf32>,
      %swap3A_548 = vector.shape_cast %swap3A_547 : vector<1x16xf32> to vector<16xf32>
      %swap3A_549 = vector.shape_cast %broadcast_in_dim3A_35 : vector<16xf32> to vector<1x16xf32>
      tpu.vector_store %arg5[%swap3A_545, %swap3A_546], %swap3A_549 {strides = array<i32>} : memref<8x6144xf32, #tpu.memory_space<vmem>>, vector<1x16xf32>,
      %mul3A_550 = arith.constant 128 : i32
      %mul3A_551 = arith.muli %scan3A_100, %mul3A_550 : i32
      %add3A_552 = arith.constant 80 : i32
      %add3A_553 = arith.addi %mul3A_551, %add3A_552 : i32
      %swap3A_554 = arith.constant 5 : i32
      %swap3A_555 = arith.index_cast %swap3A_554 : i32 to index
      %swap3A_556 = arith.index_cast %add3A_553 : i32 to index
      %swap3A_557 = tpu.vector_load %arg5[%swap3A_555, %swap3A_556] {strides = array<i32>} : memref<8x6144xf32, #tpu.memory_space<vmem>>, vector<1x16xf32>,
      %swap3A_558 = vector.shape_cast %swap3A_557 : vector<1x16xf32> to vector<16xf32>
      %swap3A_559 = vector.shape_cast %broadcast_in_dim3A_35 : vector<16xf32> to vector<1x16xf32>
      tpu.vector_store %arg5[%swap3A_555, %swap3A_556], %swap3A_559 {strides = array<i32>} : memref<8x6144xf32, #tpu.memory_space<vmem>>, vector<1x16xf32>,
      %mul3A_560 = arith.constant 128 : i32
      %mul3A_561 = arith.muli %scan3A_100, %mul3A_560 : i32
      %add3A_562 = arith.constant 96 : i32
      %add3A_563 = arith.addi %mul3A_561, %add3A_562 : i32
      %swap3A_564 = arith.constant 5 : i32
      %swap3A_565 = arith.index_cast %swap3A_564 : i32 to index
      %swap3A_566 = arith.index_cast %add3A_563 : i32 to index
      %swap3A_567 = tpu.vector_load %arg5[%swap3A_565, %swap3A_566] {strides = array<i32>} : memref<8x6144xf32, #tpu.memory_space<vmem>>, vector<1x16xf32>,
      %swap3A_568 = vector.shape_cast %swap3A_567 : vector<1x16xf32> to vector<16xf32>
      %swap3A_569 = vector.shape_cast %broadcast_in_dim3A_35 : vector<16xf32> to vector<1x16xf32>
      tpu.vector_store %arg5[%swap3A_565, %swap3A_566], %swap3A_569 {strides = array<i32>} : memref<8x6144xf32, #tpu.memory_space<vmem>>, vector<1x16xf32>,
      %mul3A_570 = arith.constant 128 : i32
      %mul3A_571 = arith.muli %scan3A_100, %mul3A_570 : i32
      %add3A_572 = arith.constant 112 : i32
      %add3A_573 = arith.addi %mul3A_571, %add3A_572 : i32
      %swap3A_574 = arith.constant 5 : i32
      %swap3A_575 = arith.index_cast %swap3A_574 : i32 to index
      %swap3A_576 = arith.index_cast %add3A_573 : i32 to index
      %swap3A_577 = tpu.vector_load %arg5[%swap3A_575, %swap3A_576] {strides = array<i32>} : memref<8x6144xf32, #tpu.memory_space<vmem>>, vector<1x16xf32>,
      %swap3A_578 = vector.shape_cast %swap3A_577 : vector<1x16xf32> to vector<16xf32>
      %swap3A_579 = vector.shape_cast %broadcast_in_dim3A_35 : vector<16xf32> to vector<1x16xf32>
      tpu.vector_store %arg5[%swap3A_575, %swap3A_576], %swap3A_579 {strides = array<i32>} : memref<8x6144xf32, #tpu.memory_space<vmem>>, vector<1x16xf32>,
      %mul3A_580 = arith.constant 128 : i32
      %mul3A_581 = arith.muli %scan3A_100, %mul3A_580 : i32
      %add3A_582 = arith.constant 0 : i32
      %add3A_583 = arith.addi %mul3A_581, %add3A_582 : i32
      %swap3A_584 = arith.constant 6 : i32
      %swap3A_585 = arith.index_cast %swap3A_584 : i32 to index
      %swap3A_586 = arith.index_cast %add3A_583 : i32 to index
      %swap3A_587 = tpu.vector_load %arg5[%swap3A_585, %swap3A_586] {strides = array<i32>} : memref<8x6144xf32, #tpu.memory_space<vmem>>, vector<1x16xf32>,
      %swap3A_588 = vector.shape_cast %swap3A_587 : vector<1x16xf32> to vector<16xf32>
      %swap3A_589 = vector.shape_cast %broadcast_in_dim3A_35 : vector<16xf32> to vector<1x16xf32>
      tpu.vector_store %arg5[%swap3A_585, %swap3A_586], %swap3A_589 {strides = array<i32>} : memref<8x6144xf32, #tpu.memory_space<vmem>>, vector<1x16xf32>,
      %mul3A_590 = arith.constant 128 : i32
      %mul3A_591 = arith.muli %scan3A_100, %mul3A_590 : i32
      %add3A_592 = arith.constant 16 : i32
      %add3A_593 = arith.addi %mul3A_591, %add3A_592 : i32
      %swap3A_594 = arith.constant 6 : i32
      %swap3A_595 = arith.index_cast %swap3A_594 : i32 to index
      %swap3A_596 = arith.index_cast %add3A_593 : i32 to index
      %swap3A_597 = tpu.vector_load %arg5[%swap3A_595, %swap3A_596] {strides = array<i32>} : memref<8x6144xf32, #tpu.memory_space<vmem>>, vector<1x16xf32>,
      %swap3A_598 = vector.shape_cast %swap3A_597 : vector<1x16xf32> to vector<16xf32>
      %swap3A_599 = vector.shape_cast %broadcast_in_dim3A_35 : vector<16xf32> to vector<1x16xf32>
      tpu.vector_store %arg5[%swap3A_595, %swap3A_596], %swap3A_599 {strides = array<i32>} : memref<8x6144xf32, #tpu.memory_space<vmem>>, vector<1x16xf32>,
      %mul3A_600 = arith.constant 128 : i32
      %mul3A_601 = arith.muli %scan3A_100, %mul3A_600 : i32
      %add3A_602 = arith.constant 32 : i32
      %add3A_603 = arith.addi %mul3A_601, %add3A_602 : i32
      %swap3A_604 = arith.constant 6 : i32
      %swap3A_605 = arith.index_cast %swap3A_604 : i32 to index
      %swap3A_606 = arith.index_cast %add3A_603 : i32 to index
      %swap3A_607 = tpu.vector_load %arg5[%swap3A_605, %swap3A_606] {strides = array<i32>} : memref<8x6144xf32, #tpu.memory_space<vmem>>, vector<1x16xf32>,
      %swap3A_608 = vector.shape_cast %swap3A_607 : vector<1x16xf32> to vector<16xf32>
      %swap3A_609 = vector.shape_cast %broadcast_in_dim3A_35 : vector<16xf32> to vector<1x16xf32>
      tpu.vector_store %arg5[%swap3A_605, %swap3A_606], %swap3A_609 {strides = array<i32>} : memref<8x6144xf32, #tpu.memory_space<vmem>>, vector<1x16xf32>,
      %mul3A_610 = arith.constant 128 : i32
      %mul3A_611 = arith.muli %scan3A_100, %mul3A_610 : i32
      %add3A_612 = arith.constant 48 : i32
      %add3A_613 = arith.addi %mul3A_611, %add3A_612 : i32
      %swap3A_614 = arith.constant 6 : i32
      %swap3A_615 = arith.index_cast %swap3A_614 : i32 to index
      %swap3A_616 = arith.index_cast %add3A_613 : i32 to index
      %swap3A_617 = tpu.vector_load %arg5[%swap3A_615, %swap3A_616] {strides = array<i32>} : memref<8x6144xf32, #tpu.memory_space<vmem>>, vector<1x16xf32>,
      %swap3A_618 = vector.shape_cast %swap3A_617 : vector<1x16xf32> to vector<16xf32>
      %swap3A_619 = vector.shape_cast %broadcast_in_dim3A_35 : vector<16xf32> to vector<1x16xf32>
      tpu.vector_store %arg5[%swap3A_615, %swap3A_616], %swap3A_619 {strides = array<i32>} : memref<8x6144xf32, #tpu.memory_space<vmem>>, vector<1x16xf32>,
      %mul3A_620 = arith.constant 128 : i32
      %mul3A_621 = arith.muli %scan3A_100, %mul3A_620 : i32
      %add3A_622 = arith.constant 64 : i32
      %add3A_623 = arith.addi %mul3A_621, %add3A_622 : i32
      %swap3A_624 = arith.constant 6 : i32
      %swap3A_625 = arith.index_cast %swap3A_624 : i32 to index
      %swap3A_626 = arith.index_cast %add3A_623 : i32 to index
      %swap3A_627 = tpu.vector_load %arg5[%swap3A_625, %swap3A_626] {strides = array<i32>} : memref<8x6144xf32, #tpu.memory_space<vmem>>, vector<1x16xf32>,
      %swap3A_628 = vector.shape_cast %swap3A_627 : vector<1x16xf32> to vector<16xf32>
      %swap3A_629 = vector.shape_cast %broadcast_in_dim3A_35 : vector<16xf32> to vector<1x16xf32>
      tpu.vector_store %arg5[%swap3A_625, %swap3A_626], %swap3A_629 {strides = array<i32>} : memref<8x6144xf32, #tpu.memory_space<vmem>>, vector<1x16xf32>,
      %mul3A_630 = arith.constant 128 : i32
      %mul3A_631 = arith.muli %scan3A_100, %mul3A_630 : i32
      %add3A_632 = arith.constant 80 : i32
      %add3A_633 = arith.addi %mul3A_631, %add3A_632 : i32
      %swap3A_634 = arith.constant 6 : i32
      %swap3A_635 = arith.index_cast %swap3A_634 : i32 to index
      %swap3A_636 = arith.index_cast %add3A_633 : i32 to index
      %swap3A_637 = tpu.vector_load %arg5[%swap3A_635, %swap3A_636] {strides = array<i32>} : memref<8x6144xf32, #tpu.memory_space<vmem>>, vector<1x16xf32>,
      %swap3A_638 = vector.shape_cast %swap3A_637 : vector<1x16xf32> to vector<16xf32>
      %swap3A_639 = vector.shape_cast %broadcast_in_dim3A_35 : vector<16xf32> to vector<1x16xf32>
      tpu.vector_store %arg5[%swap3A_635, %swap3A_636], %swap3A_639 {strides = array<i32>} : memref<8x6144xf32, #tpu.memory_space<vmem>>, vector<1x16xf32>,
      %mul3A_640 = arith.constant 128 : i32
      %mul3A_641 = arith.muli %scan3A_100, %mul3A_640 : i32
      %add3A_642 = arith.constant 96 : i32
      %add3A_643 = arith.addi %mul3A_641, %add3A_642 : i32
      %swap3A_644 = arith.constant 6 : i32
      %swap3A_645 = arith.index_cast %swap3A_644 : i32 to index
      %swap3A_646 = arith.index_cast %add3A_643 : i32 to index
      %swap3A_647 = tpu.vector_load %arg5[%swap3A_645, %swap3A_646] {strides = array<i32>} : memref<8x6144xf32, #tpu.memory_space<vmem>>, vector<1x16xf32>,
      %swap3A_648 = vector.shape_cast %swap3A_647 : vector<1x16xf32> to vector<16xf32>
      %swap3A_649 = vector.shape_cast %broadcast_in_dim3A_35 : vector<16xf32> to vector<1x16xf32>
      tpu.vector_store %arg5[%swap3A_645, %swap3A_646], %swap3A_649 {strides = array<i32>} : memref<8x6144xf32, #tpu.memory_space<vmem>>, vector<1x16xf32>,
      %mul3A_650 = arith.constant 128 : i32
      %mul3A_651 = arith.muli %scan3A_100, %mul3A_650 : i32
      %add3A_652 = arith.constant 112 : i32
      %add3A_653 = arith.addi %mul3A_651, %add3A_652 : i32
      %swap3A_654 = arith.constant 6 : i32
      %swap3A_655 = arith.index_cast %swap3A_654 : i32 to index
      %swap3A_656 = arith.index_cast %add3A_653 : i32 to index
      %swap3A_657 = tpu.vector_load %arg5[%swap3A_655, %swap3A_656] {strides = array<i32>} : memref<8x6144xf32, #tpu.memory_space<vmem>>, vector<1x16xf32>,
      %swap3A_658 = vector.shape_cast %swap3A_657 : vector<1x16xf32> to vector<16xf32>
      %swap3A_659 = vector.shape_cast %broadcast_in_dim3A_35 : vector<16xf32> to vector<1x16xf32>
      tpu.vector_store %arg5[%swap3A_655, %swap3A_656], %swap3A_659 {strides = array<i32>} : memref<8x6144xf32, #tpu.memory_space<vmem>>, vector<1x16xf32>,
      %mul3A_660 = arith.constant 128 : i32
      %mul3A_661 = arith.muli %scan3A_100, %mul3A_660 : i32
      %add3A_662 = arith.constant 0 : i32
      %add3A_663 = arith.addi %mul3A_661, %add3A_662 : i32
      %swap3A_664 = arith.constant 7 : i32
      %swap3A_665 = arith.index_cast %swap3A_664 : i32 to index
      %swap3A_666 = arith.index_cast %add3A_663 : i32 to index
      %swap3A_667 = tpu.vector_load %arg5[%swap3A_665, %swap3A_666] {strides = array<i32>} : memref<8x6144xf32, #tpu.memory_space<vmem>>, vector<1x16xf32>,
      %swap3A_668 = vector.shape_cast %swap3A_667 : vector<1x16xf32> to vector<16xf32>
      %swap3A_669 = vector.shape_cast %broadcast_in_dim3A_35 : vector<16xf32> to vector<1x16xf32>
      tpu.vector_store %arg5[%swap3A_665, %swap3A_666], %swap3A_669 {strides = array<i32>} : memref<8x6144xf32, #tpu.memory_space<vmem>>, vector<1x16xf32>,
      %mul3A_670 = arith.constant 128 : i32
      %mul3A_671 = arith.muli %scan3A_100, %mul3A_670 : i32
      %add3A_672 = arith.constant 16 : i32
      %add3A_673 = arith.addi %mul3A_671, %add3A_672 : i32
      %swap3A_674 = arith.constant 7 : i32
      %swap3A_675 = arith.index_cast %swap3A_674 : i32 to index
      %swap3A_676 = arith.index_cast %add3A_673 : i32 to index
      %swap3A_677 = tpu.vector_load %arg5[%swap3A_675, %swap3A_676] {strides = array<i32>} : memref<8x6144xf32, #tpu.memory_space<vmem>>, vector<1x16xf32>,
      %swap3A_678 = vector.shape_cast %swap3A_677 : vector<1x16xf32> to vector<16xf32>
      %swap3A_679 = vector.shape_cast %broadcast_in_dim3A_35 : vector<16xf32> to vector<1x16xf32>
      tpu.vector_store %arg5[%swap3A_675, %swap3A_676], %swap3A_679 {strides = array<i32>} : memref<8x6144xf32, #tpu.memory_space<vmem>>, vector<1x16xf32>,
      %mul3A_680 = arith.constant 128 : i32
      %mul3A_681 = arith.muli %scan3A_100, %mul3A_680 : i32
      %add3A_682 = arith.constant 32 : i32
      %add3A_683 = arith.addi %mul3A_681, %add3A_682 : i32
      %swap3A_684 = arith.constant 7 : i32
      %swap3A_685 = arith.index_cast %swap3A_684 : i32 to index
      %swap3A_686 = arith.index_cast %add3A_683 : i32 to index
      %swap3A_687 = tpu.vector_load %arg5[%swap3A_685, %swap3A_686] {strides = array<i32>} : memref<8x6144xf32, #tpu.memory_space<vmem>>, vector<1x16xf32>,
      %swap3A_688 = vector.shape_cast %swap3A_687 : vector<1x16xf32> to vector<16xf32>
      %swap3A_689 = vector.shape_cast %broadcast_in_dim3A_35 : vector<16xf32> to vector<1x16xf32>
      tpu.vector_store %arg5[%swap3A_685, %swap3A_686], %swap3A_689 {strides = array<i32>} : memref<8x6144xf32, #tpu.memory_space<vmem>>, vector<1x16xf32>,
      %mul3A_690 = arith.constant 128 : i32
      %mul3A_691 = arith.muli %scan3A_100, %mul3A_690 : i32
      %add3A_692 = arith.constant 48 : i32
      %add3A_693 = arith.addi %mul3A_691, %add3A_692 : i32
      %swap3A_694 = arith.constant 7 : i32
      %swap3A_695 = arith.index_cast %swap3A_694 : i32 to index
      %swap3A_696 = arith.index_cast %add3A_693 : i32 to index
      %swap3A_697 = tpu.vector_load %arg5[%swap3A_695, %swap3A_696] {strides = array<i32>} : memref<8x6144xf32, #tpu.memory_space<vmem>>, vector<1x16xf32>,
      %swap3A_698 = vector.shape_cast %swap3A_697 : vector<1x16xf32> to vector<16xf32>
      %swap3A_699 = vector.shape_cast %broadcast_in_dim3A_35 : vector<16xf32> to vector<1x16xf32>
      tpu.vector_store %arg5[%swap3A_695, %swap3A_696], %swap3A_699 {strides = array<i32>} : memref<8x6144xf32, #tpu.memory_space<vmem>>, vector<1x16xf32>,
      %mul3A_700 = arith.constant 128 : i32
      %mul3A_701 = arith.muli %scan3A_100, %mul3A_700 : i32
      %add3A_702 = arith.constant 64 : i32
      %add3A_703 = arith.addi %mul3A_701, %add3A_702 : i32
      %swap3A_704 = arith.constant 7 : i32
      %swap3A_705 = arith.index_cast %swap3A_704 : i32 to index
      %swap3A_706 = arith.index_cast %add3A_703 : i32 to index
      %swap3A_707 = tpu.vector_load %arg5[%swap3A_705, %swap3A_706] {strides = array<i32>} : memref<8x6144xf32, #tpu.memory_space<vmem>>, vector<1x16xf32>,
      %swap3A_708 = vector.shape_cast %swap3A_707 : vector<1x16xf32> to vector<16xf32>
      %swap3A_709 = vector.shape_cast %broadcast_in_dim3A_35 : vector<16xf32> to vector<1x16xf32>
      tpu.vector_store %arg5[%swap3A_705, %swap3A_706], %swap3A_709 {strides = array<i32>} : memref<8x6144xf32, #tpu.memory_space<vmem>>, vector<1x16xf32>,
      %mul3A_710 = arith.constant 128 : i32
      %mul3A_711 = arith.muli %scan3A_100, %mul3A_710 : i32
      %add3A_712 = arith.constant 80 : i32
      %add3A_713 = arith.addi %mul3A_711, %add3A_712 : i32
      %swap3A_714 = arith.constant 7 : i32
      %swap3A_715 = arith.index_cast %swap3A_714 : i32 to index
      %swap3A_716 = arith.index_cast %add3A_713 : i32 to index
      %swap3A_717 = tpu.vector_load %arg5[%swap3A_715, %swap3A_716] {strides = array<i32>} : memref<8x6144xf32, #tpu.memory_space<vmem>>, vector<1x16xf32>,
      %swap3A_718 = vector.shape_cast %swap3A_717 : vector<1x16xf32> to vector<16xf32>
      %swap3A_719 = vector.shape_cast %broadcast_in_dim3A_35 : vector<16xf32> to vector<1x16xf32>
      tpu.vector_store %arg5[%swap3A_715, %swap3A_716], %swap3A_719 {strides = array<i32>} : memref<8x6144xf32, #tpu.memory_space<vmem>>, vector<1x16xf32>,
      %mul3A_720 = arith.constant 128 : i32
      %mul3A_721 = arith.muli %scan3A_100, %mul3A_720 : i32
      %add3A_722 = arith.constant 96 : i32
      %add3A_723 = arith.addi %mul3A_721, %add3A_722 : i32
      %swap3A_724 = arith.constant 7 : i32
      %swap3A_725 = arith.index_cast %swap3A_724 : i32 to index
      %swap3A_726 = arith.index_cast %add3A_723 : i32 to index
      %swap3A_727 = tpu.vector_load %arg5[%swap3A_725, %swap3A_726] {strides = array<i32>} : memref<8x6144xf32, #tpu.memory_space<vmem>>, vector<1x16xf32>,
      %swap3A_728 = vector.shape_cast %swap3A_727 : vector<1x16xf32> to vector<16xf32>
      %swap3A_729 = vector.shape_cast %broadcast_in_dim3A_35 : vector<16xf32> to vector<1x16xf32>
      tpu.vector_store %arg5[%swap3A_725, %swap3A_726], %swap3A_729 {strides = array<i32>} : memref<8x6144xf32, #tpu.memory_space<vmem>>, vector<1x16xf32>,
      %mul3A_730 = arith.constant 128 : i32
      %mul3A_731 = arith.muli %scan3A_100, %mul3A_730 : i32
      %add3A_732 = arith.constant 112 : i32
      %add3A_733 = arith.addi %mul3A_731, %add3A_732 : i32
      %swap3A_734 = arith.constant 7 : i32
      %swap3A_735 = arith.index_cast %swap3A_734 : i32 to index
      %swap3A_736 = arith.index_cast %add3A_733 : i32 to index
      %swap3A_737 = tpu.vector_load %arg5[%swap3A_735, %swap3A_736] {strides = array<i32>} : memref<8x6144xf32, #tpu.memory_space<vmem>>, vector<1x16xf32>,
      %swap3A_738 = vector.shape_cast %swap3A_737 : vector<1x16xf32> to vector<16xf32>
      %swap3A_739 = vector.shape_cast %broadcast_in_dim3A_35 : vector<16xf32> to vector<1x16xf32>
      tpu.vector_store %arg5[%swap3A_735, %swap3A_736], %swap3A_739 {strides = array<i32>} : memref<8x6144xf32, #tpu.memory_space<vmem>>, vector<1x16xf32>,
    }
    %scan3A_40 = arith.constant 48 : i32
    %mul3A_41 = arith.constant 8 : i32
    %mul3A_42 = arith.muli %select_n3A_28, %mul3A_41 : i32
    %multiple_of3A = tpu.assume_multiple %mul3A_42, 8 : i32
    %eq3A_43 = arith.constant 0 : i32
    %eq3A_44 = arith.cmpi eq, %select_n3A, %eq3A_43 : i32
    %convert_element_type3A = arith.extui %eq3A_44 : i1 to i32
    %cond3A = arith.constant 0 : i32
    %cond3A_45 = arith.cmpi ne, %convert_element_type3A, %cond3A : i32
    scf.if %cond3A_45 {
      %dma_start3A = arith.constant 0 : i32
      %dma_start3A_100 = tpu.memref_slice %arg7[%multiple_of3A, %dma_start3A] : memref<64x6144xf32, #tpu.memory_space<vmem_shared>> -> memref<8x6144xf32, #tpu.memory_space<vmem_shared>>
      %dma_start3A_101 = arith.constant 0 : i32
      %dma_start3A_102 = tpu.memref_slice %arg7[%multiple_of3A, %dma_start3A_101] : memref<64x6144xf32, #tpu.memory_space<vmem_shared>> -> memref<8x6144xf32, #tpu.memory_space<vmem_shared>>
      tpu.enqueue_dma source(%arg5 : memref<8x6144xf32, #tpu.memory_space<vmem>>) target(%dma_start3A_102 : memref<8x6144xf32, #tpu.memory_space<vmem_shared>>) target_semaphore(%arg10 : memref<!tpu.dma_semaphore, #tpu.memory_space<semaphore_mem>>)
    } else {
    }
    %eq3A_46 = arith.constant 1 : i32
    %eq3A_47 = arith.cmpi eq, %select_n3A, %eq3A_46 : i32
    %convert_element_type3A_48 = arith.extui %eq3A_47 : i1 to i32
    %cond3A_49 = arith.constant 0 : i32
    %cond3A_50 = arith.cmpi ne, %convert_element_type3A_48, %cond3A_49 : i32
    scf.if %cond3A_50 {
      %dma_start3A = arith.constant 0 : i32
      %dma_start3A_100 = tpu.memref_slice %arg8[%multiple_of3A, %dma_start3A] : memref<64x6144xf32, #tpu.memory_space<vmem_shared>> -> memref<8x6144xf32, #tpu.memory_space<vmem_shared>>
      %dma_start3A_101 = arith.constant 0 : i32
      %dma_start3A_102 = tpu.memref_slice %arg8[%multiple_of3A, %dma_start3A_101] : memref<64x6144xf32, #tpu.memory_space<vmem_shared>> -> memref<8x6144xf32, #tpu.memory_space<vmem_shared>>
      tpu.enqueue_dma source(%arg5 : memref<8x6144xf32, #tpu.memory_space<vmem>>) target(%dma_start3A_102 : memref<8x6144xf32, #tpu.memory_space<vmem_shared>>) target_semaphore(%arg10 : memref<!tpu.dma_semaphore, #tpu.memory_space<semaphore_mem>>)
    } else {
    }
    %scan3A_51 = arith.constant 0 : i32
    %scan3A_52 = arith.constant 0 : i32
    %scan3A_53 = arith.constant 8 : i32
    %scan3A_54 = arith.addi %scan3A_52, %scan3A_53 : i32
    %scan3A_55 = arith.constant 1 : i32
    scf.for %scan3A_100 = %scan3A_52 to %scan3A_54 step %scan3A_55  : i32 {
      %mul3A_101 = arith.constant 128 : i32
      %mul3A_102 = arith.muli %scan3A_100, %mul3A_101 : i32
      %add3A_103 = arith.constant 0 : i32
      %add3A_104 = arith.addi %mul3A_102, %add3A_103 : i32
      %swap3A = arith.constant 0 : i32
      %swap3A_105 = arith.index_cast %swap3A : i32 to index
      %swap3A_106 = arith.index_cast %add3A_104 : i32 to index
      %swap3A_107 = tpu.vector_load %arg6[%swap3A_105, %swap3A_106] {strides = array<i32>} : memref<8x1024xf32, #tpu.memory_space<vmem>>, vector<1x16xf32>,
      %swap3A_108 = vector.shape_cast %swap3A_107 : vector<1x16xf32> to vector<16xf32>
      %swap3A_109 = vector.shape_cast %broadcast_in_dim3A_35 : vector<16xf32> to vector<1x16xf32>
      tpu.vector_store %arg6[%swap3A_105, %swap3A_106], %swap3A_109 {strides = array<i32>} : memref<8x1024xf32, #tpu.memory_space<vmem>>, vector<1x16xf32>,
      %mul3A_110 = arith.constant 128 : i32
      %mul3A_111 = arith.muli %scan3A_100, %mul3A_110 : i32
      %add3A_112 = arith.constant 16 : i32
      %add3A_113 = arith.addi %mul3A_111, %add3A_112 : i32
      %swap3A_114 = arith.constant 0 : i32
      %swap3A_115 = arith.index_cast %swap3A_114 : i32 to index
      %swap3A_116 = arith.index_cast %add3A_113 : i32 to index
      %swap3A_117 = tpu.vector_load %arg6[%swap3A_115, %swap3A_116] {strides = array<i32>} : memref<8x1024xf32, #tpu.memory_space<vmem>>, vector<1x16xf32>,
      %swap3A_118 = vector.shape_cast %swap3A_117 : vector<1x16xf32> to vector<16xf32>
      %swap3A_119 = vector.shape_cast %broadcast_in_dim3A_35 : vector<16xf32> to vector<1x16xf32>
      tpu.vector_store %arg6[%swap3A_115, %swap3A_116], %swap3A_119 {strides = array<i32>} : memref<8x1024xf32, #tpu.memory_space<vmem>>, vector<1x16xf32>,
      %mul3A_120 = arith.constant 128 : i32
      %mul3A_121 = arith.muli %scan3A_100, %mul3A_120 : i32
      %add3A_122 = arith.constant 32 : i32
      %add3A_123 = arith.addi %mul3A_121, %add3A_122 : i32
      %swap3A_124 = arith.constant 0 : i32
      %swap3A_125 = arith.index_cast %swap3A_124 : i32 to index
      %swap3A_126 = arith.index_cast %add3A_123 : i32 to index
      %swap3A_127 = tpu.vector_load %arg6[%swap3A_125, %swap3A_126] {strides = array<i32>} : memref<8x1024xf32, #tpu.memory_space<vmem>>, vector<1x16xf32>,
      %swap3A_128 = vector.shape_cast %swap3A_127 : vector<1x16xf32> to vector<16xf32>
      %swap3A_129 = vector.shape_cast %broadcast_in_dim3A_35 : vector<16xf32> to vector<1x16xf32>
      tpu.vector_store %arg6[%swap3A_125, %swap3A_126], %swap3A_129 {strides = array<i32>} : memref<8x1024xf32, #tpu.memory_space<vmem>>, vector<1x16xf32>,
      %mul3A_130 = arith.constant 128 : i32
      %mul3A_131 = arith.muli %scan3A_100, %mul3A_130 : i32
      %add3A_132 = arith.constant 48 : i32
      %add3A_133 = arith.addi %mul3A_131, %add3A_132 : i32
      %swap3A_134 = arith.constant 0 : i32
      %swap3A_135 = arith.index_cast %swap3A_134 : i32 to index
      %swap3A_136 = arith.index_cast %add3A_133 : i32 to index
      %swap3A_137 = tpu.vector_load %arg6[%swap3A_135, %swap3A_136] {strides = array<i32>} : memref<8x1024xf32, #tpu.memory_space<vmem>>, vector<1x16xf32>,
      %swap3A_138 = vector.shape_cast %swap3A_137 : vector<1x16xf32> to vector<16xf32>
      %swap3A_139 = vector.shape_cast %broadcast_in_dim3A_35 : vector<16xf32> to vector<1x16xf32>
      tpu.vector_store %arg6[%swap3A_135, %swap3A_136], %swap3A_139 {strides = array<i32>} : memref<8x1024xf32, #tpu.memory_space<vmem>>, vector<1x16xf32>,
      %mul3A_140 = arith.constant 128 : i32
      %mul3A_141 = arith.muli %scan3A_100, %mul3A_140 : i32
      %add3A_142 = arith.constant 64 : i32
      %add3A_143 = arith.addi %mul3A_141, %add3A_142 : i32
      %swap3A_144 = arith.constant 0 : i32
      %swap3A_145 = arith.index_cast %swap3A_144 : i32 to index
      %swap3A_146 = arith.index_cast %add3A_143 : i32 to index
      %swap3A_147 = tpu.vector_load %arg6[%swap3A_145, %swap3A_146] {strides = array<i32>} : memref<8x1024xf32, #tpu.memory_space<vmem>>, vector<1x16xf32>,
      %swap3A_148 = vector.shape_cast %swap3A_147 : vector<1x16xf32> to vector<16xf32>
      %swap3A_149 = vector.shape_cast %broadcast_in_dim3A_35 : vector<16xf32> to vector<1x16xf32>
      tpu.vector_store %arg6[%swap3A_145, %swap3A_146], %swap3A_149 {strides = array<i32>} : memref<8x1024xf32, #tpu.memory_space<vmem>>, vector<1x16xf32>,
      %mul3A_150 = arith.constant 128 : i32
      %mul3A_151 = arith.muli %scan3A_100, %mul3A_150 : i32
      %add3A_152 = arith.constant 80 : i32
      %add3A_153 = arith.addi %mul3A_151, %add3A_152 : i32
      %swap3A_154 = arith.constant 0 : i32
      %swap3A_155 = arith.index_cast %swap3A_154 : i32 to index
      %swap3A_156 = arith.index_cast %add3A_153 : i32 to index
      %swap3A_157 = tpu.vector_load %arg6[%swap3A_155, %swap3A_156] {strides = array<i32>} : memref<8x1024xf32, #tpu.memory_space<vmem>>, vector<1x16xf32>,
      %swap3A_158 = vector.shape_cast %swap3A_157 : vector<1x16xf32> to vector<16xf32>
      %swap3A_159 = vector.shape_cast %broadcast_in_dim3A_35 : vector<16xf32> to vector<1x16xf32>
      tpu.vector_store %arg6[%swap3A_155, %swap3A_156], %swap3A_159 {strides = array<i32>} : memref<8x1024xf32, #tpu.memory_space<vmem>>, vector<1x16xf32>,
      %mul3A_160 = arith.constant 128 : i32
      %mul3A_161 = arith.muli %scan3A_100, %mul3A_160 : i32
      %add3A_162 = arith.constant 96 : i32
      %add3A_163 = arith.addi %mul3A_161, %add3A_162 : i32
      %swap3A_164 = arith.constant 0 : i32
      %swap3A_165 = arith.index_cast %swap3A_164 : i32 to index
      %swap3A_166 = arith.index_cast %add3A_163 : i32 to index
      %swap3A_167 = tpu.vector_load %arg6[%swap3A_165, %swap3A_166] {strides = array<i32>} : memref<8x1024xf32, #tpu.memory_space<vmem>>, vector<1x16xf32>,
      %swap3A_168 = vector.shape_cast %swap3A_167 : vector<1x16xf32> to vector<16xf32>
      %swap3A_169 = vector.shape_cast %broadcast_in_dim3A_35 : vector<16xf32> to vector<1x16xf32>
      tpu.vector_store %arg6[%swap3A_165, %swap3A_166], %swap3A_169 {strides = array<i32>} : memref<8x1024xf32, #tpu.memory_space<vmem>>, vector<1x16xf32>,
      %mul3A_170 = arith.constant 128 : i32
      %mul3A_171 = arith.muli %scan3A_100, %mul3A_170 : i32
      %add3A_172 = arith.constant 112 : i32
      %add3A_173 = arith.addi %mul3A_171, %add3A_172 : i32
      %swap3A_174 = arith.constant 0 : i32
      %swap3A_175 = arith.index_cast %swap3A_174 : i32 to index
      %swap3A_176 = arith.index_cast %add3A_173 : i32 to index
      %swap3A_177 = tpu.vector_load %arg6[%swap3A_175, %swap3A_176] {strides = array<i32>} : memref<8x1024xf32, #tpu.memory_space<vmem>>, vector<1x16xf32>,
      %swap3A_178 = vector.shape_cast %swap3A_177 : vector<1x16xf32> to vector<16xf32>
      %swap3A_179 = vector.shape_cast %broadcast_in_dim3A_35 : vector<16xf32> to vector<1x16xf32>
      tpu.vector_store %arg6[%swap3A_175, %swap3A_176], %swap3A_179 {strides = array<i32>} : memref<8x1024xf32, #tpu.memory_space<vmem>>, vector<1x16xf32>,
      %mul3A_180 = arith.constant 128 : i32
      %mul3A_181 = arith.muli %scan3A_100, %mul3A_180 : i32
      %add3A_182 = arith.constant 0 : i32
      %add3A_183 = arith.addi %mul3A_181, %add3A_182 : i32
      %swap3A_184 = arith.constant 1 : i32
      %swap3A_185 = arith.index_cast %swap3A_184 : i32 to index
      %swap3A_186 = arith.index_cast %add3A_183 : i32 to index
      %swap3A_187 = tpu.vector_load %arg6[%swap3A_185, %swap3A_186] {strides = array<i32>} : memref<8x1024xf32, #tpu.memory_space<vmem>>, vector<1x16xf32>,
      %swap3A_188 = vector.shape_cast %swap3A_187 : vector<1x16xf32> to vector<16xf32>
      %swap3A_189 = vector.shape_cast %broadcast_in_dim3A_35 : vector<16xf32> to vector<1x16xf32>
      tpu.vector_store %arg6[%swap3A_185, %swap3A_186], %swap3A_189 {strides = array<i32>} : memref<8x1024xf32, #tpu.memory_space<vmem>>, vector<1x16xf32>,
      %mul3A_190 = arith.constant 128 : i32
      %mul3A_191 = arith.muli %scan3A_100, %mul3A_190 : i32
      %add3A_192 = arith.constant 16 : i32
      %add3A_193 = arith.addi %mul3A_191, %add3A_192 : i32
      %swap3A_194 = arith.constant 1 : i32
      %swap3A_195 = arith.index_cast %swap3A_194 : i32 to index
      %swap3A_196 = arith.index_cast %add3A_193 : i32 to index
      %swap3A_197 = tpu.vector_load %arg6[%swap3A_195, %swap3A_196] {strides = array<i32>} : memref<8x1024xf32, #tpu.memory_space<vmem>>, vector<1x16xf32>,
      %swap3A_198 = vector.shape_cast %swap3A_197 : vector<1x16xf32> to vector<16xf32>
      %swap3A_199 = vector.shape_cast %broadcast_in_dim3A_35 : vector<16xf32> to vector<1x16xf32>
      tpu.vector_store %arg6[%swap3A_195, %swap3A_196], %swap3A_199 {strides = array<i32>} : memref<8x1024xf32, #tpu.memory_space<vmem>>, vector<1x16xf32>,
      %mul3A_200 = arith.constant 128 : i32
      %mul3A_201 = arith.muli %scan3A_100, %mul3A_200 : i32
      %add3A_202 = arith.constant 32 : i32
      %add3A_203 = arith.addi %mul3A_201, %add3A_202 : i32
      %swap3A_204 = arith.constant 1 : i32
      %swap3A_205 = arith.index_cast %swap3A_204 : i32 to index
      %swap3A_206 = arith.index_cast %add3A_203 : i32 to index
      %swap3A_207 = tpu.vector_load %arg6[%swap3A_205, %swap3A_206] {strides = array<i32>} : memref<8x1024xf32, #tpu.memory_space<vmem>>, vector<1x16xf32>,
      %swap3A_208 = vector.shape_cast %swap3A_207 : vector<1x16xf32> to vector<16xf32>
      %swap3A_209 = vector.shape_cast %broadcast_in_dim3A_35 : vector<16xf32> to vector<1x16xf32>
      tpu.vector_store %arg6[%swap3A_205, %swap3A_206], %swap3A_209 {strides = array<i32>} : memref<8x1024xf32, #tpu.memory_space<vmem>>, vector<1x16xf32>,
      %mul3A_210 = arith.constant 128 : i32
      %mul3A_211 = arith.muli %scan3A_100, %mul3A_210 : i32
      %add3A_212 = arith.constant 48 : i32
      %add3A_213 = arith.addi %mul3A_211, %add3A_212 : i32
      %swap3A_214 = arith.constant 1 : i32
      %swap3A_215 = arith.index_cast %swap3A_214 : i32 to index
      %swap3A_216 = arith.index_cast %add3A_213 : i32 to index
      %swap3A_217 = tpu.vector_load %arg6[%swap3A_215, %swap3A_216] {strides = array<i32>} : memref<8x1024xf32, #tpu.memory_space<vmem>>, vector<1x16xf32>,
      %swap3A_218 = vector.shape_cast %swap3A_217 : vector<1x16xf32> to vector<16xf32>
      %swap3A_219 = vector.shape_cast %broadcast_in_dim3A_35 : vector<16xf32> to vector<1x16xf32>
      tpu.vector_store %arg6[%swap3A_215, %swap3A_216], %swap3A_219 {strides = array<i32>} : memref<8x1024xf32, #tpu.memory_space<vmem>>, vector<1x16xf32>,
      %mul3A_220 = arith.constant 128 : i32
      %mul3A_221 = arith.muli %scan3A_100, %mul3A_220 : i32
      %add3A_222 = arith.constant 64 : i32
      %add3A_223 = arith.addi %mul3A_221, %add3A_222 : i32
      %swap3A_224 = arith.constant 1 : i32
      %swap3A_225 = arith.index_cast %swap3A_224 : i32 to index
      %swap3A_226 = arith.index_cast %add3A_223 : i32 to index
      %swap3A_227 = tpu.vector_load %arg6[%swap3A_225, %swap3A_226] {strides = array<i32>} : memref<8x1024xf32, #tpu.memory_space<vmem>>, vector<1x16xf32>,
      %swap3A_228 = vector.shape_cast %swap3A_227 : vector<1x16xf32> to vector<16xf32>
      %swap3A_229 = vector.shape_cast %broadcast_in_dim3A_35 : vector<16xf32> to vector<1x16xf32>
      tpu.vector_store %arg6[%swap3A_225, %swap3A_226], %swap3A_229 {strides = array<i32>} : memref<8x1024xf32, #tpu.memory_space<vmem>>, vector<1x16xf32>,
      %mul3A_230 = arith.constant 128 : i32
      %mul3A_231 = arith.muli %scan3A_100, %mul3A_230 : i32
      %add3A_232 = arith.constant 80 : i32
      %add3A_233 = arith.addi %mul3A_231, %add3A_232 : i32
      %swap3A_234 = arith.constant 1 : i32
      %swap3A_235 = arith.index_cast %swap3A_234 : i32 to index
      %swap3A_236 = arith.index_cast %add3A_233 : i32 to index
      %swap3A_237 = tpu.vector_load %arg6[%swap3A_235, %swap3A_236] {strides = array<i32>} : memref<8x1024xf32, #tpu.memory_space<vmem>>, vector<1x16xf32>,
      %swap3A_238 = vector.shape_cast %swap3A_237 : vector<1x16xf32> to vector<16xf32>
      %swap3A_239 = vector.shape_cast %broadcast_in_dim3A_35 : vector<16xf32> to vector<1x16xf32>
      tpu.vector_store %arg6[%swap3A_235, %swap3A_236], %swap3A_239 {strides = array<i32>} : memref<8x1024xf32, #tpu.memory_space<vmem>>, vector<1x16xf32>,
      %mul3A_240 = arith.constant 128 : i32
      %mul3A_241 = arith.muli %scan3A_100, %mul3A_240 : i32
      %add3A_242 = arith.constant 96 : i32
      %add3A_243 = arith.addi %mul3A_241, %add3A_242 : i32
      %swap3A_244 = arith.constant 1 : i32
      %swap3A_245 = arith.index_cast %swap3A_244 : i32 to index
      %swap3A_246 = arith.index_cast %add3A_243 : i32 to index
      %swap3A_247 = tpu.vector_load %arg6[%swap3A_245, %swap3A_246] {strides = array<i32>} : memref<8x1024xf32, #tpu.memory_space<vmem>>, vector<1x16xf32>,
      %swap3A_248 = vector.shape_cast %swap3A_247 : vector<1x16xf32> to vector<16xf32>
      %swap3A_249 = vector.shape_cast %broadcast_in_dim3A_35 : vector<16xf32> to vector<1x16xf32>
      tpu.vector_store %arg6[%swap3A_245, %swap3A_246], %swap3A_249 {strides = array<i32>} : memref<8x1024xf32, #tpu.memory_space<vmem>>, vector<1x16xf32>,
      %mul3A_250 = arith.constant 128 : i32
      %mul3A_251 = arith.muli %scan3A_100, %mul3A_250 : i32
      %add3A_252 = arith.constant 112 : i32
      %add3A_253 = arith.addi %mul3A_251, %add3A_252 : i32
      %swap3A_254 = arith.constant 1 : i32
      %swap3A_255 = arith.index_cast %swap3A_254 : i32 to index
      %swap3A_256 = arith.index_cast %add3A_253 : i32 to index
      %swap3A_257 = tpu.vector_load %arg6[%swap3A_255, %swap3A_256] {strides = array<i32>} : memref<8x1024xf32, #tpu.memory_space<vmem>>, vector<1x16xf32>,
      %swap3A_258 = vector.shape_cast %swap3A_257 : vector<1x16xf32> to vector<16xf32>
      %swap3A_259 = vector.shape_cast %broadcast_in_dim3A_35 : vector<16xf32> to vector<1x16xf32>
      tpu.vector_store %arg6[%swap3A_255, %swap3A_256], %swap3A_259 {strides = array<i32>} : memref<8x1024xf32, #tpu.memory_space<vmem>>, vector<1x16xf32>,
      %mul3A_260 = arith.constant 128 : i32
      %mul3A_261 = arith.muli %scan3A_100, %mul3A_260 : i32
      %add3A_262 = arith.constant 0 : i32
      %add3A_263 = arith.addi %mul3A_261, %add3A_262 : i32
      %swap3A_264 = arith.constant 2 : i32
      %swap3A_265 = arith.index_cast %swap3A_264 : i32 to index
      %swap3A_266 = arith.index_cast %add3A_263 : i32 to index
      %swap3A_267 = tpu.vector_load %arg6[%swap3A_265, %swap3A_266] {strides = array<i32>} : memref<8x1024xf32, #tpu.memory_space<vmem>>, vector<1x16xf32>,
      %swap3A_268 = vector.shape_cast %swap3A_267 : vector<1x16xf32> to vector<16xf32>
      %swap3A_269 = vector.shape_cast %broadcast_in_dim3A_35 : vector<16xf32> to vector<1x16xf32>
      tpu.vector_store %arg6[%swap3A_265, %swap3A_266], %swap3A_269 {strides = array<i32>} : memref<8x1024xf32, #tpu.memory_space<vmem>>, vector<1x16xf32>,
      %mul3A_270 = arith.constant 128 : i32
      %mul3A_271 = arith.muli %scan3A_100, %mul3A_270 : i32
      %add3A_272 = arith.constant 16 : i32
      %add3A_273 = arith.addi %mul3A_271, %add3A_272 : i32
      %swap3A_274 = arith.constant 2 : i32
      %swap3A_275 = arith.index_cast %swap3A_274 : i32 to index
      %swap3A_276 = arith.index_cast %add3A_273 : i32 to index
      %swap3A_277 = tpu.vector_load %arg6[%swap3A_275, %swap3A_276] {strides = array<i32>} : memref<8x1024xf32, #tpu.memory_space<vmem>>, vector<1x16xf32>,
      %swap3A_278 = vector.shape_cast %swap3A_277 : vector<1x16xf32> to vector<16xf32>
      %swap3A_279 = vector.shape_cast %broadcast_in_dim3A_35 : vector<16xf32> to vector<1x16xf32>
      tpu.vector_store %arg6[%swap3A_275, %swap3A_276], %swap3A_279 {strides = array<i32>} : memref<8x1024xf32, #tpu.memory_space<vmem>>, vector<1x16xf32>,
      %mul3A_280 = arith.constant 128 : i32
      %mul3A_281 = arith.muli %scan3A_100, %mul3A_280 : i32
      %add3A_282 = arith.constant 32 : i32
      %add3A_283 = arith.addi %mul3A_281, %add3A_282 : i32
      %swap3A_284 = arith.constant 2 : i32
      %swap3A_285 = arith.index_cast %swap3A_284 : i32 to index
      %swap3A_286 = arith.index_cast %add3A_283 : i32 to index
      %swap3A_287 = tpu.vector_load %arg6[%swap3A_285, %swap3A_286] {strides = array<i32>} : memref<8x1024xf32, #tpu.memory_space<vmem>>, vector<1x16xf32>,
      %swap3A_288 = vector.shape_cast %swap3A_287 : vector<1x16xf32> to vector<16xf32>
      %swap3A_289 = vector.shape_cast %broadcast_in_dim3A_35 : vector<16xf32> to vector<1x16xf32>
      tpu.vector_store %arg6[%swap3A_285, %swap3A_286], %swap3A_289 {strides = array<i32>} : memref<8x1024xf32, #tpu.memory_space<vmem>>, vector<1x16xf32>,
      %mul3A_290 = arith.constant 128 : i32
      %mul3A_291 = arith.muli %scan3A_100, %mul3A_290 : i32
      %add3A_292 = arith.constant 48 : i32
      %add3A_293 = arith.addi %mul3A_291, %add3A_292 : i32
      %swap3A_294 = arith.constant 2 : i32
      %swap3A_295 = arith.index_cast %swap3A_294 : i32 to index
      %swap3A_296 = arith.index_cast %add3A_293 : i32 to index
      %swap3A_297 = tpu.vector_load %arg6[%swap3A_295, %swap3A_296] {strides = array<i32>} : memref<8x1024xf32, #tpu.memory_space<vmem>>, vector<1x16xf32>,
      %swap3A_298 = vector.shape_cast %swap3A_297 : vector<1x16xf32> to vector<16xf32>
      %swap3A_299 = vector.shape_cast %broadcast_in_dim3A_35 : vector<16xf32> to vector<1x16xf32>
      tpu.vector_store %arg6[%swap3A_295, %swap3A_296], %swap3A_299 {strides = array<i32>} : memref<8x1024xf32, #tpu.memory_space<vmem>>, vector<1x16xf32>,
      %mul3A_300 = arith.constant 128 : i32
      %mul3A_301 = arith.muli %scan3A_100, %mul3A_300 : i32
      %add3A_302 = arith.constant 64 : i32
      %add3A_303 = arith.addi %mul3A_301, %add3A_302 : i32
      %swap3A_304 = arith.constant 2 : i32
      %swap3A_305 = arith.index_cast %swap3A_304 : i32 to index
      %swap3A_306 = arith.index_cast %add3A_303 : i32 to index
      %swap3A_307 = tpu.vector_load %arg6[%swap3A_305, %swap3A_306] {strides = array<i32>} : memref<8x1024xf32, #tpu.memory_space<vmem>>, vector<1x16xf32>,
      %swap3A_308 = vector.shape_cast %swap3A_307 : vector<1x16xf32> to vector<16xf32>
      %swap3A_309 = vector.shape_cast %broadcast_in_dim3A_35 : vector<16xf32> to vector<1x16xf32>
      tpu.vector_store %arg6[%swap3A_305, %swap3A_306], %swap3A_309 {strides = array<i32>} : memref<8x1024xf32, #tpu.memory_space<vmem>>, vector<1x16xf32>,
      %mul3A_310 = arith.constant 128 : i32
      %mul3A_311 = arith.muli %scan3A_100, %mul3A_310 : i32
      %add3A_312 = arith.constant 80 : i32
      %add3A_313 = arith.addi %mul3A_311, %add3A_312 : i32
      %swap3A_314 = arith.constant 2 : i32
      %swap3A_315 = arith.index_cast %swap3A_314 : i32 to index
      %swap3A_316 = arith.index_cast %add3A_313 : i32 to index
      %swap3A_317 = tpu.vector_load %arg6[%swap3A_315, %swap3A_316] {strides = array<i32>} : memref<8x1024xf32, #tpu.memory_space<vmem>>, vector<1x16xf32>,
      %swap3A_318 = vector.shape_cast %swap3A_317 : vector<1x16xf32> to vector<16xf32>
      %swap3A_319 = vector.shape_cast %broadcast_in_dim3A_35 : vector<16xf32> to vector<1x16xf32>
      tpu.vector_store %arg6[%swap3A_315, %swap3A_316], %swap3A_319 {strides = array<i32>} : memref<8x1024xf32, #tpu.memory_space<vmem>>, vector<1x16xf32>,
      %mul3A_320 = arith.constant 128 : i32
      %mul3A_321 = arith.muli %scan3A_100, %mul3A_320 : i32
      %add3A_322 = arith.constant 96 : i32
      %add3A_323 = arith.addi %mul3A_321, %add3A_322 : i32
      %swap3A_324 = arith.constant 2 : i32
      %swap3A_325 = arith.index_cast %swap3A_324 : i32 to index
      %swap3A_326 = arith.index_cast %add3A_323 : i32 to index
      %swap3A_327 = tpu.vector_load %arg6[%swap3A_325, %swap3A_326] {strides = array<i32>} : memref<8x1024xf32, #tpu.memory_space<vmem>>, vector<1x16xf32>,
      %swap3A_328 = vector.shape_cast %swap3A_327 : vector<1x16xf32> to vector<16xf32>
      %swap3A_329 = vector.shape_cast %broadcast_in_dim3A_35 : vector<16xf32> to vector<1x16xf32>
      tpu.vector_store %arg6[%swap3A_325, %swap3A_326], %swap3A_329 {strides = array<i32>} : memref<8x1024xf32, #tpu.memory_space<vmem>>, vector<1x16xf32>,
      %mul3A_330 = arith.constant 128 : i32
      %mul3A_331 = arith.muli %scan3A_100, %mul3A_330 : i32
      %add3A_332 = arith.constant 112 : i32
      %add3A_333 = arith.addi %mul3A_331, %add3A_332 : i32
      %swap3A_334 = arith.constant 2 : i32
      %swap3A_335 = arith.index_cast %swap3A_334 : i32 to index
      %swap3A_336 = arith.index_cast %add3A_333 : i32 to index
      %swap3A_337 = tpu.vector_load %arg6[%swap3A_335, %swap3A_336] {strides = array<i32>} : memref<8x1024xf32, #tpu.memory_space<vmem>>, vector<1x16xf32>,
      %swap3A_338 = vector.shape_cast %swap3A_337 : vector<1x16xf32> to vector<16xf32>
      %swap3A_339 = vector.shape_cast %broadcast_in_dim3A_35 : vector<16xf32> to vector<1x16xf32>
      tpu.vector_store %arg6[%swap3A_335, %swap3A_336], %swap3A_339 {strides = array<i32>} : memref<8x1024xf32, #tpu.memory_space<vmem>>, vector<1x16xf32>,
      %mul3A_340 = arith.constant 128 : i32
      %mul3A_341 = arith.muli %scan3A_100, %mul3A_340 : i32
      %add3A_342 = arith.constant 0 : i32
      %add3A_343 = arith.addi %mul3A_341, %add3A_342 : i32
      %swap3A_344 = arith.constant 3 : i32
      %swap3A_345 = arith.index_cast %swap3A_344 : i32 to index
      %swap3A_346 = arith.index_cast %add3A_343 : i32 to index
      %swap3A_347 = tpu.vector_load %arg6[%swap3A_345, %swap3A_346] {strides = array<i32>} : memref<8x1024xf32, #tpu.memory_space<vmem>>, vector<1x16xf32>,
      %swap3A_348 = vector.shape_cast %swap3A_347 : vector<1x16xf32> to vector<16xf32>
      %swap3A_349 = vector.shape_cast %broadcast_in_dim3A_35 : vector<16xf32> to vector<1x16xf32>
      tpu.vector_store %arg6[%swap3A_345, %swap3A_346], %swap3A_349 {strides = array<i32>} : memref<8x1024xf32, #tpu.memory_space<vmem>>, vector<1x16xf32>,
      %mul3A_350 = arith.constant 128 : i32
      %mul3A_351 = arith.muli %scan3A_100, %mul3A_350 : i32
      %add3A_352 = arith.constant 16 : i32
      %add3A_353 = arith.addi %mul3A_351, %add3A_352 : i32
      %swap3A_354 = arith.constant 3 : i32
      %swap3A_355 = arith.index_cast %swap3A_354 : i32 to index
      %swap3A_356 = arith.index_cast %add3A_353 : i32 to index
      %swap3A_357 = tpu.vector_load %arg6[%swap3A_355, %swap3A_356] {strides = array<i32>} : memref<8x1024xf32, #tpu.memory_space<vmem>>, vector<1x16xf32>,
      %swap3A_358 = vector.shape_cast %swap3A_357 : vector<1x16xf32> to vector<16xf32>
      %swap3A_359 = vector.shape_cast %broadcast_in_dim3A_35 : vector<16xf32> to vector<1x16xf32>
      tpu.vector_store %arg6[%swap3A_355, %swap3A_356], %swap3A_359 {strides = array<i32>} : memref<8x1024xf32, #tpu.memory_space<vmem>>, vector<1x16xf32>,
      %mul3A_360 = arith.constant 128 : i32
      %mul3A_361 = arith.muli %scan3A_100, %mul3A_360 : i32
      %add3A_362 = arith.constant 32 : i32
      %add3A_363 = arith.addi %mul3A_361, %add3A_362 : i32
      %swap3A_364 = arith.constant 3 : i32
      %swap3A_365 = arith.index_cast %swap3A_364 : i32 to index
      %swap3A_366 = arith.index_cast %add3A_363 : i32 to index
      %swap3A_367 = tpu.vector_load %arg6[%swap3A_365, %swap3A_366] {strides = array<i32>} : memref<8x1024xf32, #tpu.memory_space<vmem>>, vector<1x16xf32>,
      %swap3A_368 = vector.shape_cast %swap3A_367 : vector<1x16xf32> to vector<16xf32>
      %swap3A_369 = vector.shape_cast %broadcast_in_dim3A_35 : vector<16xf32> to vector<1x16xf32>
      tpu.vector_store %arg6[%swap3A_365, %swap3A_366], %swap3A_369 {strides = array<i32>} : memref<8x1024xf32, #tpu.memory_space<vmem>>, vector<1x16xf32>,
      %mul3A_370 = arith.constant 128 : i32
      %mul3A_371 = arith.muli %scan3A_100, %mul3A_370 : i32
      %add3A_372 = arith.constant 48 : i32
      %add3A_373 = arith.addi %mul3A_371, %add3A_372 : i32
      %swap3A_374 = arith.constant 3 : i32
      %swap3A_375 = arith.index_cast %swap3A_374 : i32 to index
      %swap3A_376 = arith.index_cast %add3A_373 : i32 to index
      %swap3A_377 = tpu.vector_load %arg6[%swap3A_375, %swap3A_376] {strides = array<i32>} : memref<8x1024xf32, #tpu.memory_space<vmem>>, vector<1x16xf32>,
      %swap3A_378 = vector.shape_cast %swap3A_377 : vector<1x16xf32> to vector<16xf32>
      %swap3A_379 = vector.shape_cast %broadcast_in_dim3A_35 : vector<16xf32> to vector<1x16xf32>
      tpu.vector_store %arg6[%swap3A_375, %swap3A_376], %swap3A_379 {strides = array<i32>} : memref<8x1024xf32, #tpu.memory_space<vmem>>, vector<1x16xf32>,
      %mul3A_380 = arith.constant 128 : i32
      %mul3A_381 = arith.muli %scan3A_100, %mul3A_380 : i32
      %add3A_382 = arith.constant 64 : i32
      %add3A_383 = arith.addi %mul3A_381, %add3A_382 : i32
      %swap3A_384 = arith.constant 3 : i32
      %swap3A_385 = arith.index_cast %swap3A_384 : i32 to index
      %swap3A_386 = arith.index_cast %add3A_383 : i32 to index
      %swap3A_387 = tpu.vector_load %arg6[%swap3A_385, %swap3A_386] {strides = array<i32>} : memref<8x1024xf32, #tpu.memory_space<vmem>>, vector<1x16xf32>,
      %swap3A_388 = vector.shape_cast %swap3A_387 : vector<1x16xf32> to vector<16xf32>
      %swap3A_389 = vector.shape_cast %broadcast_in_dim3A_35 : vector<16xf32> to vector<1x16xf32>
      tpu.vector_store %arg6[%swap3A_385, %swap3A_386], %swap3A_389 {strides = array<i32>} : memref<8x1024xf32, #tpu.memory_space<vmem>>, vector<1x16xf32>,
      %mul3A_390 = arith.constant 128 : i32
      %mul3A_391 = arith.muli %scan3A_100, %mul3A_390 : i32
      %add3A_392 = arith.constant 80 : i32
      %add3A_393 = arith.addi %mul3A_391, %add3A_392 : i32
      %swap3A_394 = arith.constant 3 : i32
      %swap3A_395 = arith.index_cast %swap3A_394 : i32 to index
      %swap3A_396 = arith.index_cast %add3A_393 : i32 to index
      %swap3A_397 = tpu.vector_load %arg6[%swap3A_395, %swap3A_396] {strides = array<i32>} : memref<8x1024xf32, #tpu.memory_space<vmem>>, vector<1x16xf32>,
      %swap3A_398 = vector.shape_cast %swap3A_397 : vector<1x16xf32> to vector<16xf32>
      %swap3A_399 = vector.shape_cast %broadcast_in_dim3A_35 : vector<16xf32> to vector<1x16xf32>
      tpu.vector_store %arg6[%swap3A_395, %swap3A_396], %swap3A_399 {strides = array<i32>} : memref<8x1024xf32, #tpu.memory_space<vmem>>, vector<1x16xf32>,
      %mul3A_400 = arith.constant 128 : i32
      %mul3A_401 = arith.muli %scan3A_100, %mul3A_400 : i32
      %add3A_402 = arith.constant 96 : i32
      %add3A_403 = arith.addi %mul3A_401, %add3A_402 : i32
      %swap3A_404 = arith.constant 3 : i32
      %swap3A_405 = arith.index_cast %swap3A_404 : i32 to index
      %swap3A_406 = arith.index_cast %add3A_403 : i32 to index
      %swap3A_407 = tpu.vector_load %arg6[%swap3A_405, %swap3A_406] {strides = array<i32>} : memref<8x1024xf32, #tpu.memory_space<vmem>>, vector<1x16xf32>,
      %swap3A_408 = vector.shape_cast %swap3A_407 : vector<1x16xf32> to vector<16xf32>
      %swap3A_409 = vector.shape_cast %broadcast_in_dim3A_35 : vector<16xf32> to vector<1x16xf32>
      tpu.vector_store %arg6[%swap3A_405, %swap3A_406], %swap3A_409 {strides = array<i32>} : memref<8x1024xf32, #tpu.memory_space<vmem>>, vector<1x16xf32>,
      %mul3A_410 = arith.constant 128 : i32
      %mul3A_411 = arith.muli %scan3A_100, %mul3A_410 : i32
      %add3A_412 = arith.constant 112 : i32
      %add3A_413 = arith.addi %mul3A_411, %add3A_412 : i32
      %swap3A_414 = arith.constant 3 : i32
      %swap3A_415 = arith.index_cast %swap3A_414 : i32 to index
      %swap3A_416 = arith.index_cast %add3A_413 : i32 to index
      %swap3A_417 = tpu.vector_load %arg6[%swap3A_415, %swap3A_416] {strides = array<i32>} : memref<8x1024xf32, #tpu.memory_space<vmem>>, vector<1x16xf32>,
      %swap3A_418 = vector.shape_cast %swap3A_417 : vector<1x16xf32> to vector<16xf32>
      %swap3A_419 = vector.shape_cast %broadcast_in_dim3A_35 : vector<16xf32> to vector<1x16xf32>
      tpu.vector_store %arg6[%swap3A_415, %swap3A_416], %swap3A_419 {strides = array<i32>} : memref<8x1024xf32, #tpu.memory_space<vmem>>, vector<1x16xf32>,
      %mul3A_420 = arith.constant 128 : i32
      %mul3A_421 = arith.muli %scan3A_100, %mul3A_420 : i32
      %add3A_422 = arith.constant 0 : i32
      %add3A_423 = arith.addi %mul3A_421, %add3A_422 : i32
      %swap3A_424 = arith.constant 4 : i32
      %swap3A_425 = arith.index_cast %swap3A_424 : i32 to index
      %swap3A_426 = arith.index_cast %add3A_423 : i32 to index
      %swap3A_427 = tpu.vector_load %arg6[%swap3A_425, %swap3A_426] {strides = array<i32>} : memref<8x1024xf32, #tpu.memory_space<vmem>>, vector<1x16xf32>,
      %swap3A_428 = vector.shape_cast %swap3A_427 : vector<1x16xf32> to vector<16xf32>
      %swap3A_429 = vector.shape_cast %broadcast_in_dim3A_35 : vector<16xf32> to vector<1x16xf32>
      tpu.vector_store %arg6[%swap3A_425, %swap3A_426], %swap3A_429 {strides = array<i32>} : memref<8x1024xf32, #tpu.memory_space<vmem>>, vector<1x16xf32>,
      %mul3A_430 = arith.constant 128 : i32
      %mul3A_431 = arith.muli %scan3A_100, %mul3A_430 : i32
      %add3A_432 = arith.constant 16 : i32
      %add3A_433 = arith.addi %mul3A_431, %add3A_432 : i32
      %swap3A_434 = arith.constant 4 : i32
      %swap3A_435 = arith.index_cast %swap3A_434 : i32 to index
      %swap3A_436 = arith.index_cast %add3A_433 : i32 to index
      %swap3A_437 = tpu.vector_load %arg6[%swap3A_435, %swap3A_436] {strides = array<i32>} : memref<8x1024xf32, #tpu.memory_space<vmem>>, vector<1x16xf32>,
      %swap3A_438 = vector.shape_cast %swap3A_437 : vector<1x16xf32> to vector<16xf32>
      %swap3A_439 = vector.shape_cast %broadcast_in_dim3A_35 : vector<16xf32> to vector<1x16xf32>
      tpu.vector_store %arg6[%swap3A_435, %swap3A_436], %swap3A_439 {strides = array<i32>} : memref<8x1024xf32, #tpu.memory_space<vmem>>, vector<1x16xf32>,
      %mul3A_440 = arith.constant 128 : i32
      %mul3A_441 = arith.muli %scan3A_100, %mul3A_440 : i32
      %add3A_442 = arith.constant 32 : i32
      %add3A_443 = arith.addi %mul3A_441, %add3A_442 : i32
      %swap3A_444 = arith.constant 4 : i32
      %swap3A_445 = arith.index_cast %swap3A_444 : i32 to index
      %swap3A_446 = arith.index_cast %add3A_443 : i32 to index
      %swap3A_447 = tpu.vector_load %arg6[%swap3A_445, %swap3A_446] {strides = array<i32>} : memref<8x1024xf32, #tpu.memory_space<vmem>>, vector<1x16xf32>,
      %swap3A_448 = vector.shape_cast %swap3A_447 : vector<1x16xf32> to vector<16xf32>
      %swap3A_449 = vector.shape_cast %broadcast_in_dim3A_35 : vector<16xf32> to vector<1x16xf32>
      tpu.vector_store %arg6[%swap3A_445, %swap3A_446], %swap3A_449 {strides = array<i32>} : memref<8x1024xf32, #tpu.memory_space<vmem>>, vector<1x16xf32>,
      %mul3A_450 = arith.constant 128 : i32
      %mul3A_451 = arith.muli %scan3A_100, %mul3A_450 : i32
      %add3A_452 = arith.constant 48 : i32
      %add3A_453 = arith.addi %mul3A_451, %add3A_452 : i32
      %swap3A_454 = arith.constant 4 : i32
      %swap3A_455 = arith.index_cast %swap3A_454 : i32 to index
      %swap3A_456 = arith.index_cast %add3A_453 : i32 to index
      %swap3A_457 = tpu.vector_load %arg6[%swap3A_455, %swap3A_456] {strides = array<i32>} : memref<8x1024xf32, #tpu.memory_space<vmem>>, vector<1x16xf32>,
      %swap3A_458 = vector.shape_cast %swap3A_457 : vector<1x16xf32> to vector<16xf32>
      %swap3A_459 = vector.shape_cast %broadcast_in_dim3A_35 : vector<16xf32> to vector<1x16xf32>
      tpu.vector_store %arg6[%swap3A_455, %swap3A_456], %swap3A_459 {strides = array<i32>} : memref<8x1024xf32, #tpu.memory_space<vmem>>, vector<1x16xf32>,
      %mul3A_460 = arith.constant 128 : i32
      %mul3A_461 = arith.muli %scan3A_100, %mul3A_460 : i32
      %add3A_462 = arith.constant 64 : i32
      %add3A_463 = arith.addi %mul3A_461, %add3A_462 : i32
      %swap3A_464 = arith.constant 4 : i32
      %swap3A_465 = arith.index_cast %swap3A_464 : i32 to index
      %swap3A_466 = arith.index_cast %add3A_463 : i32 to index
      %swap3A_467 = tpu.vector_load %arg6[%swap3A_465, %swap3A_466] {strides = array<i32>} : memref<8x1024xf32, #tpu.memory_space<vmem>>, vector<1x16xf32>,
      %swap3A_468 = vector.shape_cast %swap3A_467 : vector<1x16xf32> to vector<16xf32>
      %swap3A_469 = vector.shape_cast %broadcast_in_dim3A_35 : vector<16xf32> to vector<1x16xf32>
      tpu.vector_store %arg6[%swap3A_465, %swap3A_466], %swap3A_469 {strides = array<i32>} : memref<8x1024xf32, #tpu.memory_space<vmem>>, vector<1x16xf32>,
      %mul3A_470 = arith.constant 128 : i32
      %mul3A_471 = arith.muli %scan3A_100, %mul3A_470 : i32
      %add3A_472 = arith.constant 80 : i32
      %add3A_473 = arith.addi %mul3A_471, %add3A_472 : i32
      %swap3A_474 = arith.constant 4 : i32
      %swap3A_475 = arith.index_cast %swap3A_474 : i32 to index
      %swap3A_476 = arith.index_cast %add3A_473 : i32 to index
      %swap3A_477 = tpu.vector_load %arg6[%swap3A_475, %swap3A_476] {strides = array<i32>} : memref<8x1024xf32, #tpu.memory_space<vmem>>, vector<1x16xf32>,
      %swap3A_478 = vector.shape_cast %swap3A_477 : vector<1x16xf32> to vector<16xf32>
      %swap3A_479 = vector.shape_cast %broadcast_in_dim3A_35 : vector<16xf32> to vector<1x16xf32>
      tpu.vector_store %arg6[%swap3A_475, %swap3A_476], %swap3A_479 {strides = array<i32>} : memref<8x1024xf32, #tpu.memory_space<vmem>>, vector<1x16xf32>,
      %mul3A_480 = arith.constant 128 : i32
      %mul3A_481 = arith.muli %scan3A_100, %mul3A_480 : i32
      %add3A_482 = arith.constant 96 : i32
      %add3A_483 = arith.addi %mul3A_481, %add3A_482 : i32
      %swap3A_484 = arith.constant 4 : i32
      %swap3A_485 = arith.index_cast %swap3A_484 : i32 to index
      %swap3A_486 = arith.index_cast %add3A_483 : i32 to index
      %swap3A_487 = tpu.vector_load %arg6[%swap3A_485, %swap3A_486] {strides = array<i32>} : memref<8x1024xf32, #tpu.memory_space<vmem>>, vector<1x16xf32>,
      %swap3A_488 = vector.shape_cast %swap3A_487 : vector<1x16xf32> to vector<16xf32>
      %swap3A_489 = vector.shape_cast %broadcast_in_dim3A_35 : vector<16xf32> to vector<1x16xf32>
      tpu.vector_store %arg6[%swap3A_485, %swap3A_486], %swap3A_489 {strides = array<i32>} : memref<8x1024xf32, #tpu.memory_space<vmem>>, vector<1x16xf32>,
      %mul3A_490 = arith.constant 128 : i32
      %mul3A_491 = arith.muli %scan3A_100, %mul3A_490 : i32
      %add3A_492 = arith.constant 112 : i32
      %add3A_493 = arith.addi %mul3A_491, %add3A_492 : i32
      %swap3A_494 = arith.constant 4 : i32
      %swap3A_495 = arith.index_cast %swap3A_494 : i32 to index
      %swap3A_496 = arith.index_cast %add3A_493 : i32 to index
      %swap3A_497 = tpu.vector_load %arg6[%swap3A_495, %swap3A_496] {strides = array<i32>} : memref<8x1024xf32, #tpu.memory_space<vmem>>, vector<1x16xf32>,
      %swap3A_498 = vector.shape_cast %swap3A_497 : vector<1x16xf32> to vector<16xf32>
      %swap3A_499 = vector.shape_cast %broadcast_in_dim3A_35 : vector<16xf32> to vector<1x16xf32>
      tpu.vector_store %arg6[%swap3A_495, %swap3A_496], %swap3A_499 {strides = array<i32>} : memref<8x1024xf32, #tpu.memory_space<vmem>>, vector<1x16xf32>,
      %mul3A_500 = arith.constant 128 : i32
      %mul3A_501 = arith.muli %scan3A_100, %mul3A_500 : i32
      %add3A_502 = arith.constant 0 : i32
      %add3A_503 = arith.addi %mul3A_501, %add3A_502 : i32
      %swap3A_504 = arith.constant 5 : i32
      %swap3A_505 = arith.index_cast %swap3A_504 : i32 to index
      %swap3A_506 = arith.index_cast %add3A_503 : i32 to index
      %swap3A_507 = tpu.vector_load %arg6[%swap3A_505, %swap3A_506] {strides = array<i32>} : memref<8x1024xf32, #tpu.memory_space<vmem>>, vector<1x16xf32>,
      %swap3A_508 = vector.shape_cast %swap3A_507 : vector<1x16xf32> to vector<16xf32>
      %swap3A_509 = vector.shape_cast %broadcast_in_dim3A_35 : vector<16xf32> to vector<1x16xf32>
      tpu.vector_store %arg6[%swap3A_505, %swap3A_506], %swap3A_509 {strides = array<i32>} : memref<8x1024xf32, #tpu.memory_space<vmem>>, vector<1x16xf32>,
      %mul3A_510 = arith.constant 128 : i32
      %mul3A_511 = arith.muli %scan3A_100, %mul3A_510 : i32
      %add3A_512 = arith.constant 16 : i32
      %add3A_513 = arith.addi %mul3A_511, %add3A_512 : i32
      %swap3A_514 = arith.constant 5 : i32
      %swap3A_515 = arith.index_cast %swap3A_514 : i32 to index
      %swap3A_516 = arith.index_cast %add3A_513 : i32 to index
      %swap3A_517 = tpu.vector_load %arg6[%swap3A_515, %swap3A_516] {strides = array<i32>} : memref<8x1024xf32, #tpu.memory_space<vmem>>, vector<1x16xf32>,
      %swap3A_518 = vector.shape_cast %swap3A_517 : vector<1x16xf32> to vector<16xf32>
      %swap3A_519 = vector.shape_cast %broadcast_in_dim3A_35 : vector<16xf32> to vector<1x16xf32>
      tpu.vector_store %arg6[%swap3A_515, %swap3A_516], %swap3A_519 {strides = array<i32>} : memref<8x1024xf32, #tpu.memory_space<vmem>>, vector<1x16xf32>,
      %mul3A_520 = arith.constant 128 : i32
      %mul3A_521 = arith.muli %scan3A_100, %mul3A_520 : i32
      %add3A_522 = arith.constant 32 : i32
      %add3A_523 = arith.addi %mul3A_521, %add3A_522 : i32
      %swap3A_524 = arith.constant 5 : i32
      %swap3A_525 = arith.index_cast %swap3A_524 : i32 to index
      %swap3A_526 = arith.index_cast %add3A_523 : i32 to index
      %swap3A_527 = tpu.vector_load %arg6[%swap3A_525, %swap3A_526] {strides = array<i32>} : memref<8x1024xf32, #tpu.memory_space<vmem>>, vector<1x16xf32>,
      %swap3A_528 = vector.shape_cast %swap3A_527 : vector<1x16xf32> to vector<16xf32>
      %swap3A_529 = vector.shape_cast %broadcast_in_dim3A_35 : vector<16xf32> to vector<1x16xf32>
      tpu.vector_store %arg6[%swap3A_525, %swap3A_526], %swap3A_529 {strides = array<i32>} : memref<8x1024xf32, #tpu.memory_space<vmem>>, vector<1x16xf32>,
      %mul3A_530 = arith.constant 128 : i32
      %mul3A_531 = arith.muli %scan3A_100, %mul3A_530 : i32
      %add3A_532 = arith.constant 48 : i32
      %add3A_533 = arith.addi %mul3A_531, %add3A_532 : i32
      %swap3A_534 = arith.constant 5 : i32
      %swap3A_535 = arith.index_cast %swap3A_534 : i32 to index
      %swap3A_536 = arith.index_cast %add3A_533 : i32 to index
      %swap3A_537 = tpu.vector_load %arg6[%swap3A_535, %swap3A_536] {strides = array<i32>} : memref<8x1024xf32, #tpu.memory_space<vmem>>, vector<1x16xf32>,
      %swap3A_538 = vector.shape_cast %swap3A_537 : vector<1x16xf32> to vector<16xf32>
      %swap3A_539 = vector.shape_cast %broadcast_in_dim3A_35 : vector<16xf32> to vector<1x16xf32>
      tpu.vector_store %arg6[%swap3A_535, %swap3A_536], %swap3A_539 {strides = array<i32>} : memref<8x1024xf32, #tpu.memory_space<vmem>>, vector<1x16xf32>,
      %mul3A_540 = arith.constant 128 : i32
      %mul3A_541 = arith.muli %scan3A_100, %mul3A_540 : i32
      %add3A_542 = arith.constant 64 : i32
      %add3A_543 = arith.addi %mul3A_541, %add3A_542 : i32
      %swap3A_544 = arith.constant 5 : i32
      %swap3A_545 = arith.index_cast %swap3A_544 : i32 to index
      %swap3A_546 = arith.index_cast %add3A_543 : i32 to index
      %swap3A_547 = tpu.vector_load %arg6[%swap3A_545, %swap3A_546] {strides = array<i32>} : memref<8x1024xf32, #tpu.memory_space<vmem>>, vector<1x16xf32>,
      %swap3A_548 = vector.shape_cast %swap3A_547 : vector<1x16xf32> to vector<16xf32>
      %swap3A_549 = vector.shape_cast %broadcast_in_dim3A_35 : vector<16xf32> to vector<1x16xf32>
      tpu.vector_store %arg6[%swap3A_545, %swap3A_546], %swap3A_549 {strides = array<i32>} : memref<8x1024xf32, #tpu.memory_space<vmem>>, vector<1x16xf32>,
      %mul3A_550 = arith.constant 128 : i32
      %mul3A_551 = arith.muli %scan3A_100, %mul3A_550 : i32
      %add3A_552 = arith.constant 80 : i32
      %add3A_553 = arith.addi %mul3A_551, %add3A_552 : i32
      %swap3A_554 = arith.constant 5 : i32
      %swap3A_555 = arith.index_cast %swap3A_554 : i32 to index
      %swap3A_556 = arith.index_cast %add3A_553 : i32 to index
      %swap3A_557 = tpu.vector_load %arg6[%swap3A_555, %swap3A_556] {strides = array<i32>} : memref<8x1024xf32, #tpu.memory_space<vmem>>, vector<1x16xf32>,
      %swap3A_558 = vector.shape_cast %swap3A_557 : vector<1x16xf32> to vector<16xf32>
      %swap3A_559 = vector.shape_cast %broadcast_in_dim3A_35 : vector<16xf32> to vector<1x16xf32>
      tpu.vector_store %arg6[%swap3A_555, %swap3A_556], %swap3A_559 {strides = array<i32>} : memref<8x1024xf32, #tpu.memory_space<vmem>>, vector<1x16xf32>,
      %mul3A_560 = arith.constant 128 : i32
      %mul3A_561 = arith.muli %scan3A_100, %mul3A_560 : i32
      %add3A_562 = arith.constant 96 : i32
      %add3A_563 = arith.addi %mul3A_561, %add3A_562 : i32
      %swap3A_564 = arith.constant 5 : i32
      %swap3A_565 = arith.index_cast %swap3A_564 : i32 to index
      %swap3A_566 = arith.index_cast %add3A_563 : i32 to index
      %swap3A_567 = tpu.vector_load %arg6[%swap3A_565, %swap3A_566] {strides = array<i32>} : memref<8x1024xf32, #tpu.memory_space<vmem>>, vector<1x16xf32>,
      %swap3A_568 = vector.shape_cast %swap3A_567 : vector<1x16xf32> to vector<16xf32>
      %swap3A_569 = vector.shape_cast %broadcast_in_dim3A_35 : vector<16xf32> to vector<1x16xf32>
      tpu.vector_store %arg6[%swap3A_565, %swap3A_566], %swap3A_569 {strides = array<i32>} : memref<8x1024xf32, #tpu.memory_space<vmem>>, vector<1x16xf32>,
      %mul3A_570 = arith.constant 128 : i32
      %mul3A_571 = arith.muli %scan3A_100, %mul3A_570 : i32
      %add3A_572 = arith.constant 112 : i32
      %add3A_573 = arith.addi %mul3A_571, %add3A_572 : i32
      %swap3A_574 = arith.constant 5 : i32
      %swap3A_575 = arith.index_cast %swap3A_574 : i32 to index
      %swap3A_576 = arith.index_cast %add3A_573 : i32 to index
      %swap3A_577 = tpu.vector_load %arg6[%swap3A_575, %swap3A_576] {strides = array<i32>} : memref<8x1024xf32, #tpu.memory_space<vmem>>, vector<1x16xf32>,
      %swap3A_578 = vector.shape_cast %swap3A_577 : vector<1x16xf32> to vector<16xf32>
      %swap3A_579 = vector.shape_cast %broadcast_in_dim3A_35 : vector<16xf32> to vector<1x16xf32>
      tpu.vector_store %arg6[%swap3A_575, %swap3A_576], %swap3A_579 {strides = array<i32>} : memref<8x1024xf32, #tpu.memory_space<vmem>>, vector<1x16xf32>,
      %mul3A_580 = arith.constant 128 : i32
      %mul3A_581 = arith.muli %scan3A_100, %mul3A_580 : i32
      %add3A_582 = arith.constant 0 : i32
      %add3A_583 = arith.addi %mul3A_581, %add3A_582 : i32
      %swap3A_584 = arith.constant 6 : i32
      %swap3A_585 = arith.index_cast %swap3A_584 : i32 to index
      %swap3A_586 = arith.index_cast %add3A_583 : i32 to index
      %swap3A_587 = tpu.vector_load %arg6[%swap3A_585, %swap3A_586] {strides = array<i32>} : memref<8x1024xf32, #tpu.memory_space<vmem>>, vector<1x16xf32>,
      %swap3A_588 = vector.shape_cast %swap3A_587 : vector<1x16xf32> to vector<16xf32>
      %swap3A_589 = vector.shape_cast %broadcast_in_dim3A_35 : vector<16xf32> to vector<1x16xf32>
      tpu.vector_store %arg6[%swap3A_585, %swap3A_586], %swap3A_589 {strides = array<i32>} : memref<8x1024xf32, #tpu.memory_space<vmem>>, vector<1x16xf32>,
      %mul3A_590 = arith.constant 128 : i32
      %mul3A_591 = arith.muli %scan3A_100, %mul3A_590 : i32
      %add3A_592 = arith.constant 16 : i32
      %add3A_593 = arith.addi %mul3A_591, %add3A_592 : i32
      %swap3A_594 = arith.constant 6 : i32
      %swap3A_595 = arith.index_cast %swap3A_594 : i32 to index
      %swap3A_596 = arith.index_cast %add3A_593 : i32 to index
      %swap3A_597 = tpu.vector_load %arg6[%swap3A_595, %swap3A_596] {strides = array<i32>} : memref<8x1024xf32, #tpu.memory_space<vmem>>, vector<1x16xf32>,
      %swap3A_598 = vector.shape_cast %swap3A_597 : vector<1x16xf32> to vector<16xf32>
      %swap3A_599 = vector.shape_cast %broadcast_in_dim3A_35 : vector<16xf32> to vector<1x16xf32>
      tpu.vector_store %arg6[%swap3A_595, %swap3A_596], %swap3A_599 {strides = array<i32>} : memref<8x1024xf32, #tpu.memory_space<vmem>>, vector<1x16xf32>,
      %mul3A_600 = arith.constant 128 : i32
      %mul3A_601 = arith.muli %scan3A_100, %mul3A_600 : i32
      %add3A_602 = arith.constant 32 : i32
      %add3A_603 = arith.addi %mul3A_601, %add3A_602 : i32
      %swap3A_604 = arith.constant 6 : i32
      %swap3A_605 = arith.index_cast %swap3A_604 : i32 to index
      %swap3A_606 = arith.index_cast %add3A_603 : i32 to index
      %swap3A_607 = tpu.vector_load %arg6[%swap3A_605, %swap3A_606] {strides = array<i32>} : memref<8x1024xf32, #tpu.memory_space<vmem>>, vector<1x16xf32>,
      %swap3A_608 = vector.shape_cast %swap3A_607 : vector<1x16xf32> to vector<16xf32>
      %swap3A_609 = vector.shape_cast %broadcast_in_dim3A_35 : vector<16xf32> to vector<1x16xf32>
      tpu.vector_store %arg6[%swap3A_605, %swap3A_606], %swap3A_609 {strides = array<i32>} : memref<8x1024xf32, #tpu.memory_space<vmem>>, vector<1x16xf32>,
      %mul3A_610 = arith.constant 128 : i32
      %mul3A_611 = arith.muli %scan3A_100, %mul3A_610 : i32
      %add3A_612 = arith.constant 48 : i32
      %add3A_613 = arith.addi %mul3A_611, %add3A_612 : i32
      %swap3A_614 = arith.constant 6 : i32
      %swap3A_615 = arith.index_cast %swap3A_614 : i32 to index
      %swap3A_616 = arith.index_cast %add3A_613 : i32 to index
      %swap3A_617 = tpu.vector_load %arg6[%swap3A_615, %swap3A_616] {strides = array<i32>} : memref<8x1024xf32, #tpu.memory_space<vmem>>, vector<1x16xf32>,
      %swap3A_618 = vector.shape_cast %swap3A_617 : vector<1x16xf32> to vector<16xf32>
      %swap3A_619 = vector.shape_cast %broadcast_in_dim3A_35 : vector<16xf32> to vector<1x16xf32>
      tpu.vector_store %arg6[%swap3A_615, %swap3A_616], %swap3A_619 {strides = array<i32>} : memref<8x1024xf32, #tpu.memory_space<vmem>>, vector<1x16xf32>,
      %mul3A_620 = arith.constant 128 : i32
      %mul3A_621 = arith.muli %scan3A_100, %mul3A_620 : i32
      %add3A_622 = arith.constant 64 : i32
      %add3A_623 = arith.addi %mul3A_621, %add3A_622 : i32
      %swap3A_624 = arith.constant 6 : i32
      %swap3A_625 = arith.index_cast %swap3A_624 : i32 to index
      %swap3A_626 = arith.index_cast %add3A_623 : i32 to index
      %swap3A_627 = tpu.vector_load %arg6[%swap3A_625, %swap3A_626] {strides = array<i32>} : memref<8x1024xf32, #tpu.memory_space<vmem>>, vector<1x16xf32>,
      %swap3A_628 = vector.shape_cast %swap3A_627 : vector<1x16xf32> to vector<16xf32>
      %swap3A_629 = vector.shape_cast %broadcast_in_dim3A_35 : vector<16xf32> to vector<1x16xf32>
      tpu.vector_store %arg6[%swap3A_625, %swap3A_626], %swap3A_629 {strides = array<i32>} : memref<8x1024xf32, #tpu.memory_space<vmem>>, vector<1x16xf32>,
      %mul3A_630 = arith.constant 128 : i32
      %mul3A_631 = arith.muli %scan3A_100, %mul3A_630 : i32
      %add3A_632 = arith.constant 80 : i32
      %add3A_633 = arith.addi %mul3A_631, %add3A_632 : i32
      %swap3A_634 = arith.constant 6 : i32
      %swap3A_635 = arith.index_cast %swap3A_634 : i32 to index
      %swap3A_636 = arith.index_cast %add3A_633 : i32 to index
      %swap3A_637 = tpu.vector_load %arg6[%swap3A_635, %swap3A_636] {strides = array<i32>} : memref<8x1024xf32, #tpu.memory_space<vmem>>, vector<1x16xf32>,
      %swap3A_638 = vector.shape_cast %swap3A_637 : vector<1x16xf32> to vector<16xf32>
      %swap3A_639 = vector.shape_cast %broadcast_in_dim3A_35 : vector<16xf32> to vector<1x16xf32>
      tpu.vector_store %arg6[%swap3A_635, %swap3A_636], %swap3A_639 {strides = array<i32>} : memref<8x1024xf32, #tpu.memory_space<vmem>>, vector<1x16xf32>,
      %mul3A_640 = arith.constant 128 : i32
      %mul3A_641 = arith.muli %scan3A_100, %mul3A_640 : i32
      %add3A_642 = arith.constant 96 : i32
      %add3A_643 = arith.addi %mul3A_641, %add3A_642 : i32
      %swap3A_644 = arith.constant 6 : i32
      %swap3A_645 = arith.index_cast %swap3A_644 : i32 to index
      %swap3A_646 = arith.index_cast %add3A_643 : i32 to index
      %swap3A_647 = tpu.vector_load %arg6[%swap3A_645, %swap3A_646] {strides = array<i32>} : memref<8x1024xf32, #tpu.memory_space<vmem>>, vector<1x16xf32>,
      %swap3A_648 = vector.shape_cast %swap3A_647 : vector<1x16xf32> to vector<16xf32>
      %swap3A_649 = vector.shape_cast %broadcast_in_dim3A_35 : vector<16xf32> to vector<1x16xf32>
      tpu.vector_store %arg6[%swap3A_645, %swap3A_646], %swap3A_649 {strides = array<i32>} : memref<8x1024xf32, #tpu.memory_space<vmem>>, vector<1x16xf32>,
      %mul3A_650 = arith.constant 128 : i32
      %mul3A_651 = arith.muli %scan3A_100, %mul3A_650 : i32
      %add3A_652 = arith.constant 112 : i32
      %add3A_653 = arith.addi %mul3A_651, %add3A_652 : i32
      %swap3A_654 = arith.constant 6 : i32
      %swap3A_655 = arith.index_cast %swap3A_654 : i32 to index
      %swap3A_656 = arith.index_cast %add3A_653 : i32 to index
      %swap3A_657 = tpu.vector_load %arg6[%swap3A_655, %swap3A_656] {strides = array<i32>} : memref<8x1024xf32, #tpu.memory_space<vmem>>, vector<1x16xf32>,
      %swap3A_658 = vector.shape_cast %swap3A_657 : vector<1x16xf32> to vector<16xf32>
      %swap3A_659 = vector.shape_cast %broadcast_in_dim3A_35 : vector<16xf32> to vector<1x16xf32>
      tpu.vector_store %arg6[%swap3A_655, %swap3A_656], %swap3A_659 {strides = array<i32>} : memref<8x1024xf32, #tpu.memory_space<vmem>>, vector<1x16xf32>,
      %mul3A_660 = arith.constant 128 : i32
      %mul3A_661 = arith.muli %scan3A_100, %mul3A_660 : i32
      %add3A_662 = arith.constant 0 : i32
      %add3A_663 = arith.addi %mul3A_661, %add3A_662 : i32
      %swap3A_664 = arith.constant 7 : i32
      %swap3A_665 = arith.index_cast %swap3A_664 : i32 to index
      %swap3A_666 = arith.index_cast %add3A_663 : i32 to index
      %swap3A_667 = tpu.vector_load %arg6[%swap3A_665, %swap3A_666] {strides = array<i32>} : memref<8x1024xf32, #tpu.memory_space<vmem>>, vector<1x16xf32>,
      %swap3A_668 = vector.shape_cast %swap3A_667 : vector<1x16xf32> to vector<16xf32>
      %swap3A_669 = vector.shape_cast %broadcast_in_dim3A_35 : vector<16xf32> to vector<1x16xf32>
      tpu.vector_store %arg6[%swap3A_665, %swap3A_666], %swap3A_669 {strides = array<i32>} : memref<8x1024xf32, #tpu.memory_space<vmem>>, vector<1x16xf32>,
      %mul3A_670 = arith.constant 128 : i32
      %mul3A_671 = arith.muli %scan3A_100, %mul3A_670 : i32
      %add3A_672 = arith.constant 16 : i32
      %add3A_673 = arith.addi %mul3A_671, %add3A_672 : i32
      %swap3A_674 = arith.constant 7 : i32
      %swap3A_675 = arith.index_cast %swap3A_674 : i32 to index
      %swap3A_676 = arith.index_cast %add3A_673 : i32 to index
      %swap3A_677 = tpu.vector_load %arg6[%swap3A_675, %swap3A_676] {strides = array<i32>} : memref<8x1024xf32, #tpu.memory_space<vmem>>, vector<1x16xf32>,
      %swap3A_678 = vector.shape_cast %swap3A_677 : vector<1x16xf32> to vector<16xf32>
      %swap3A_679 = vector.shape_cast %broadcast_in_dim3A_35 : vector<16xf32> to vector<1x16xf32>
      tpu.vector_store %arg6[%swap3A_675, %swap3A_676], %swap3A_679 {strides = array<i32>} : memref<8x1024xf32, #tpu.memory_space<vmem>>, vector<1x16xf32>,
      %mul3A_680 = arith.constant 128 : i32
      %mul3A_681 = arith.muli %scan3A_100, %mul3A_680 : i32
      %add3A_682 = arith.constant 32 : i32
      %add3A_683 = arith.addi %mul3A_681, %add3A_682 : i32
      %swap3A_684 = arith.constant 7 : i32
      %swap3A_685 = arith.index_cast %swap3A_684 : i32 to index
      %swap3A_686 = arith.index_cast %add3A_683 : i32 to index
      %swap3A_687 = tpu.vector_load %arg6[%swap3A_685, %swap3A_686] {strides = array<i32>} : memref<8x1024xf32, #tpu.memory_space<vmem>>, vector<1x16xf32>,
      %swap3A_688 = vector.shape_cast %swap3A_687 : vector<1x16xf32> to vector<16xf32>
      %swap3A_689 = vector.shape_cast %broadcast_in_dim3A_35 : vector<16xf32> to vector<1x16xf32>
      tpu.vector_store %arg6[%swap3A_685, %swap3A_686], %swap3A_689 {strides = array<i32>} : memref<8x1024xf32, #tpu.memory_space<vmem>>, vector<1x16xf32>,
      %mul3A_690 = arith.constant 128 : i32
      %mul3A_691 = arith.muli %scan3A_100, %mul3A_690 : i32
      %add3A_692 = arith.constant 48 : i32
      %add3A_693 = arith.addi %mul3A_691, %add3A_692 : i32
      %swap3A_694 = arith.constant 7 : i32
      %swap3A_695 = arith.index_cast %swap3A_694 : i32 to index
      %swap3A_696 = arith.index_cast %add3A_693 : i32 to index
      %swap3A_697 = tpu.vector_load %arg6[%swap3A_695, %swap3A_696] {strides = array<i32>} : memref<8x1024xf32, #tpu.memory_space<vmem>>, vector<1x16xf32>,
      %swap3A_698 = vector.shape_cast %swap3A_697 : vector<1x16xf32> to vector<16xf32>
      %swap3A_699 = vector.shape_cast %broadcast_in_dim3A_35 : vector<16xf32> to vector<1x16xf32>
      tpu.vector_store %arg6[%swap3A_695, %swap3A_696], %swap3A_699 {strides = array<i32>} : memref<8x1024xf32, #tpu.memory_space<vmem>>, vector<1x16xf32>,
      %mul3A_700 = arith.constant 128 : i32
      %mul3A_701 = arith.muli %scan3A_100, %mul3A_700 : i32
      %add3A_702 = arith.constant 64 : i32
      %add3A_703 = arith.addi %mul3A_701, %add3A_702 : i32
      %swap3A_704 = arith.constant 7 : i32
      %swap3A_705 = arith.index_cast %swap3A_704 : i32 to index
      %swap3A_706 = arith.index_cast %add3A_703 : i32 to index
      %swap3A_707 = tpu.vector_load %arg6[%swap3A_705, %swap3A_706] {strides = array<i32>} : memref<8x1024xf32, #tpu.memory_space<vmem>>, vector<1x16xf32>,
      %swap3A_708 = vector.shape_cast %swap3A_707 : vector<1x16xf32> to vector<16xf32>
      %swap3A_709 = vector.shape_cast %broadcast_in_dim3A_35 : vector<16xf32> to vector<1x16xf32>
      tpu.vector_store %arg6[%swap3A_705, %swap3A_706], %swap3A_709 {strides = array<i32>} : memref<8x1024xf32, #tpu.memory_space<vmem>>, vector<1x16xf32>,
      %mul3A_710 = arith.constant 128 : i32
      %mul3A_711 = arith.muli %scan3A_100, %mul3A_710 : i32
      %add3A_712 = arith.constant 80 : i32
      %add3A_713 = arith.addi %mul3A_711, %add3A_712 : i32
      %swap3A_714 = arith.constant 7 : i32
      %swap3A_715 = arith.index_cast %swap3A_714 : i32 to index
      %swap3A_716 = arith.index_cast %add3A_713 : i32 to index
      %swap3A_717 = tpu.vector_load %arg6[%swap3A_715, %swap3A_716] {strides = array<i32>} : memref<8x1024xf32, #tpu.memory_space<vmem>>, vector<1x16xf32>,
      %swap3A_718 = vector.shape_cast %swap3A_717 : vector<1x16xf32> to vector<16xf32>
      %swap3A_719 = vector.shape_cast %broadcast_in_dim3A_35 : vector<16xf32> to vector<1x16xf32>
      tpu.vector_store %arg6[%swap3A_715, %swap3A_716], %swap3A_719 {strides = array<i32>} : memref<8x1024xf32, #tpu.memory_space<vmem>>, vector<1x16xf32>,
      %mul3A_720 = arith.constant 128 : i32
      %mul3A_721 = arith.muli %scan3A_100, %mul3A_720 : i32
      %add3A_722 = arith.constant 96 : i32
      %add3A_723 = arith.addi %mul3A_721, %add3A_722 : i32
      %swap3A_724 = arith.constant 7 : i32
      %swap3A_725 = arith.index_cast %swap3A_724 : i32 to index
      %swap3A_726 = arith.index_cast %add3A_723 : i32 to index
      %swap3A_727 = tpu.vector_load %arg6[%swap3A_725, %swap3A_726] {strides = array<i32>} : memref<8x1024xf32, #tpu.memory_space<vmem>>, vector<1x16xf32>,
      %swap3A_728 = vector.shape_cast %swap3A_727 : vector<1x16xf32> to vector<16xf32>
      %swap3A_729 = vector.shape_cast %broadcast_in_dim3A_35 : vector<16xf32> to vector<1x16xf32>
      tpu.vector_store %arg6[%swap3A_725, %swap3A_726], %swap3A_729 {strides = array<i32>} : memref<8x1024xf32, #tpu.memory_space<vmem>>, vector<1x16xf32>,
      %mul3A_730 = arith.constant 128 : i32
      %mul3A_731 = arith.muli %scan3A_100, %mul3A_730 : i32
      %add3A_732 = arith.constant 112 : i32
      %add3A_733 = arith.addi %mul3A_731, %add3A_732 : i32
      %swap3A_734 = arith.constant 7 : i32
      %swap3A_735 = arith.index_cast %swap3A_734 : i32 to index
      %swap3A_736 = arith.index_cast %add3A_733 : i32 to index
      %swap3A_737 = tpu.vector_load %arg6[%swap3A_735, %swap3A_736] {strides = array<i32>} : memref<8x1024xf32, #tpu.memory_space<vmem>>, vector<1x16xf32>,
      %swap3A_738 = vector.shape_cast %swap3A_737 : vector<1x16xf32> to vector<16xf32>
      %swap3A_739 = vector.shape_cast %broadcast_in_dim3A_35 : vector<16xf32> to vector<1x16xf32>
      tpu.vector_store %arg6[%swap3A_735, %swap3A_736], %swap3A_739 {strides = array<i32>} : memref<8x1024xf32, #tpu.memory_space<vmem>>, vector<1x16xf32>,
    }
    %scan3A_56 = arith.constant 8 : i32
    %iota3A = tpu.iota {dimensions = array<i32: 0>} : vector<16xi32>
    %and3A_57 = arith.constant 1 : i32
    %and3A_58 = arith.andi %sub3A_34, %and3A_57 : i32
    %mul3A_59 = arith.constant 64 : i32
    %mul3A_60 = arith.muli %and3A_58, %mul3A_59 : i32
    %and3A_61 = arith.constant 1 : i32
    %and3A_62 = arith.andi %sub3A_34, %and3A_61 : i32
    %sub3A_63 = arith.subi %sub3A_34, %and3A_62 : i32
    %mul3A_64 = arith.constant 64 : i32
    %mul3A_65 = arith.muli %sub3A_63, %mul3A_64 : i32
    %multiple_of3A_66 = tpu.assume_multiple %mul3A_65, 128 : i32
    %scan3A_67 = arith.constant 0 : i32
    %scan3A_68 = arith.constant 0 : i32
    %scan3A_69 = arith.constant 120 : i32
    %scan3A_70 = arith.addi %scan3A_68, %scan3A_69 : i32
    %scan3A_71 = arith.constant 1 : i32
    scf.for %scan3A_100 = %scan3A_68 to %scan3A_70 step %scan3A_71  : i32 {
      %jit3A_101 = arith.constant 15 : i32
      %div3A_102 = arith.divsi %scan3A_100, %jit3A_101 : i32
      %sign3A_103 = arith.constant 0 : i32
      %sign3A_104 = arith.cmpi sgt, %scan3A_100, %sign3A_103 : i32
      %sign3A_105 = arith.extui %sign3A_104 : i1 to i32
      %sign3A_106 = arith.constant 0 : i32
      %sign3A_107 = arith.cmpi slt, %scan3A_100, %sign3A_106 : i32
      %sign3A_108 = arith.extui %sign3A_107 : i1 to i32
      %sign3A_109 = arith.subi %sign3A_105, %sign3A_108 : i32
      %sign3A_110 = arith.constant 0 : i32
      %sign3A_111 = arith.cmpi sgt, %jit3A_101, %sign3A_110 : i32
      %sign3A_112 = arith.extui %sign3A_111 : i1 to i32
      %sign3A_113 = arith.constant 0 : i32
      %sign3A_114 = arith.cmpi slt, %jit3A_101, %sign3A_113 : i32
      %sign3A_115 = arith.extui %sign3A_114 : i1 to i32
      %sign3A_116 = arith.subi %sign3A_112, %sign3A_115 : i32
      %ne3A_117 = arith.cmpi ne, %sign3A_109, %sign3A_116 : i32
      %rem3A_118 = arith.remsi %scan3A_100, %jit3A_101 : i32
      %ne3A_119 = arith.constant 0 : i32
      %ne3A_120 = arith.cmpi ne, %rem3A_118, %ne3A_119 : i32
      %and3A_121 = arith.andi %ne3A_117, %ne3A_120 : i1
      %sub3A_122 = arith.constant 1 : i32
      %sub3A_123 = arith.subi %div3A_102, %sub3A_122 : i32
      %select_n3A_124 = arith.select %and3A_121, %sub3A_123, %div3A_102 : i32
      %jit3A_125 = arith.constant 15 : i32
      %eq3A_126 = arith.constant 0 : i32
      %eq3A_127 = arith.cmpi eq, %jit3A_125, %eq3A_126 : i32
      %jit3A_128 = arith.constant 1 : i32
      %select_n3A_129 = arith.select %eq3A_127, %jit3A_128, %jit3A_125 : i32
      %rem3A_130 = arith.remsi %scan3A_100, %select_n3A_129 : i32
      %ne3A_131 = arith.constant 0 : i32
      %ne3A_132 = arith.cmpi ne, %rem3A_130, %ne3A_131 : i32
      %lt3A_133 = arith.constant 0 : i32
      %lt3A_134 = arith.cmpi slt, %rem3A_130, %lt3A_133 : i32
      %lt3A_135 = arith.constant 0 : i32
      %lt3A_136 = arith.cmpi slt, %select_n3A_129, %lt3A_135 : i32
      %ne3A_137 = arith.xori %lt3A_134, %lt3A_136 : i1
      %and3A_138 = arith.andi %ne3A_137, %ne3A_132 : i1
      %add3A_139 = arith.addi %rem3A_130, %select_n3A_129 : i32
      %select_n3A_140 = arith.select %and3A_138, %add3A_139, %rem3A_130 : i32
      %mul3A_141 = arith.constant 8 : i32
      %mul3A_142 = arith.muli %select_n3A_28, %mul3A_141 : i32
      %add3A_143 = arith.addi %mul3A_142, %select_n3A_124 : i32
      %mul3A_144 = arith.constant 15 : i32
      %mul3A_145 = arith.muli %select_n3A_140, %mul3A_144 : i32
      %get3A = arith.index_cast %mul3A_145 : i32 to index
      %get3A_146 = tpu.vector_load %arg4[%get3A] {strides = array<i32>} : memref<241xf32, #tpu.memory_space<vmem>>, vector<16xf32>,
      %get3A_147 = vector.shape_cast %get3A_146 : vector<16xf32> to vector<16xf32>
      %add3A_148 = arith.constant 0 : i32
      %add3A_149 = vector.broadcast %add3A_148 : i32 to vector<16xi32>
      %add3A_150 = arith.addi %add3A_149, %iota3A : vector<16xi32>
      %sub3A_151 = vector.broadcast %add3A_143 : i32 to vector<16xi32>
      %sub3A_152 = arith.subi %add3A_150, %sub3A_151 : vector<16xi32>
      %add3A_153 = arith.constant 7 : i32
      %add3A_154 = vector.broadcast %add3A_153 : i32 to vector<16xi32>
      %add3A_155 = arith.addi %sub3A_152, %add3A_154 : vector<16xi32>
      %ge3A = arith.constant 0 : i32
      %ge3A_156 = vector.broadcast %ge3A : i32 to vector<16xi32>
      %ge3A_157 = arith.cmpi sge, %add3A_155, %ge3A_156 : vector<16xi32>
      %lt3A_158 = arith.constant 15 : i32
      %lt3A_159 = vector.broadcast %lt3A_158 : i32 to vector<16xi32>
      %lt3A_160 = arith.cmpi slt, %add3A_155, %lt3A_159 : vector<16xi32>
      %and3A_161 = arith.andi %ge3A_157, %lt3A_160 : vector<16xi1>
      %jit3A_162 = arith.constant 0 : i32
      %jit3A_163 = arith.constant 14 : i32
      %max3A = vector.broadcast %jit3A_162 : i32 to vector<16xi32>
      %max3A_164 = arith.maxsi %max3A, %add3A_155 : vector<16xi32>
      %min3A = vector.broadcast %jit3A_163 : i32 to vector<16xi32>
      %min3A_165 = arith.minsi %min3A, %max3A_164 : vector<16xi32>
      %lt3A_166 = arith.constant 0 : i32
      %lt3A_167 = vector.broadcast %lt3A_166 : i32 to vector<16xi32>
      %lt3A_168 = arith.cmpi slt, %min3A_165, %lt3A_167 : vector<16xi32>
      %add3A_169 = arith.constant 16 : i32
      %add3A_170 = vector.broadcast %add3A_169 : i32 to vector<16xi32>
      %add3A_171 = arith.addi %min3A_165, %add3A_170 : vector<16xi32>
      %select_n3A_172 = arith.select %lt3A_168, %add3A_171, %min3A_165 : vector<16xi1>, vector<16xi32>
      %broadcast_in_dim3A_173 = vector.shape_cast %select_n3A_172 : vector<16xi32> to vector<16x1xi32>
      %gather3A = vector.shape_cast %broadcast_in_dim3A_173 : vector<16x1xi32> to vector<16xi32>
      %gather3A_174 = tpu.dynamic_gather %get3A_147[%gather3A] in [0] : vector<16xf32>, vector<16xi32> -> vector<16xf32>
      %jit3A_175 = arith.constant 0.000000e+00 : f32
      %broadcast_in_dim3A_176 = vector.broadcast %jit3A_175 : f32 to vector<16xf32>
      %select_n3A_177 = arith.select %and3A_161, %gather3A_174, %broadcast_in_dim3A_176 : vector<16xi1>, vector<16xf32>
      %mul3A_178 = arith.constant 64 : i32
      %mul3A_179 = arith.muli %select_n3A_140, %mul3A_178 : i32
      %add3A_180 = arith.addi %mul3A_60, %mul3A_179 : i32
      %add3A_181 = arith.constant 0 : i32
      %add3A_182 = arith.addi %add3A_180, %add3A_181 : i32
      %swap3A = arith.index_cast %select_n3A_124 : i32 to index
      %swap3A_183 = arith.index_cast %add3A_182 : i32 to index
      %swap3A_184 = tpu.vector_load %arg6[%swap3A, %swap3A_183] {strides = array<i32>} : memref<8x1024xf32, #tpu.memory_space<vmem>>, vector<1x16xf32>,
      %swap3A_185 = vector.shape_cast %swap3A_184 : vector<1x16xf32> to vector<16xf32>
      %swap3A_186 = vector.shape_cast %select_n3A_177 : vector<16xf32> to vector<1x16xf32>
      tpu.vector_store %arg6[%swap3A, %swap3A_183], %swap3A_186 {strides = array<i32>} : memref<8x1024xf32, #tpu.memory_space<vmem>>, vector<1x16xf32>,
      %add3A_187 = arith.constant 16 : i32
      %add3A_188 = vector.broadcast %add3A_187 : i32 to vector<16xi32>
      %add3A_189 = arith.addi %add3A_188, %iota3A : vector<16xi32>
      %sub3A_190 = vector.broadcast %add3A_143 : i32 to vector<16xi32>
      %sub3A_191 = arith.subi %add3A_189, %sub3A_190 : vector<16xi32>
      %add3A_192 = arith.constant 7 : i32
      %add3A_193 = vector.broadcast %add3A_192 : i32 to vector<16xi32>
      %add3A_194 = arith.addi %sub3A_191, %add3A_193 : vector<16xi32>
      %ge3A_195 = arith.constant 0 : i32
      %ge3A_196 = vector.broadcast %ge3A_195 : i32 to vector<16xi32>
      %ge3A_197 = arith.cmpi sge, %add3A_194, %ge3A_196 : vector<16xi32>
      %lt3A_198 = arith.constant 15 : i32
      %lt3A_199 = vector.broadcast %lt3A_198 : i32 to vector<16xi32>
      %lt3A_200 = arith.cmpi slt, %add3A_194, %lt3A_199 : vector<16xi32>
      %and3A_201 = arith.andi %ge3A_197, %lt3A_200 : vector<16xi1>
      %jit3A_202 = arith.constant 0 : i32
      %jit3A_203 = arith.constant 14 : i32
      %max3A_204 = vector.broadcast %jit3A_202 : i32 to vector<16xi32>
      %max3A_205 = arith.maxsi %max3A_204, %add3A_194 : vector<16xi32>
      %min3A_206 = vector.broadcast %jit3A_203 : i32 to vector<16xi32>
      %min3A_207 = arith.minsi %min3A_206, %max3A_205 : vector<16xi32>
      %lt3A_208 = arith.constant 0 : i32
      %lt3A_209 = vector.broadcast %lt3A_208 : i32 to vector<16xi32>
      %lt3A_210 = arith.cmpi slt, %min3A_207, %lt3A_209 : vector<16xi32>
      %add3A_211 = arith.constant 16 : i32
      %add3A_212 = vector.broadcast %add3A_211 : i32 to vector<16xi32>
      %add3A_213 = arith.addi %min3A_207, %add3A_212 : vector<16xi32>
      %select_n3A_214 = arith.select %lt3A_210, %add3A_213, %min3A_207 : vector<16xi1>, vector<16xi32>
      %broadcast_in_dim3A_215 = vector.shape_cast %select_n3A_214 : vector<16xi32> to vector<16x1xi32>
      %gather3A_216 = vector.shape_cast %broadcast_in_dim3A_215 : vector<16x1xi32> to vector<16xi32>
      %gather3A_217 = tpu.dynamic_gather %get3A_147[%gather3A_216] in [0] : vector<16xf32>, vector<16xi32> -> vector<16xf32>
      %jit3A_218 = arith.constant 0.000000e+00 : f32
      %broadcast_in_dim3A_219 = vector.broadcast %jit3A_218 : f32 to vector<16xf32>
      %select_n3A_220 = arith.select %and3A_201, %gather3A_217, %broadcast_in_dim3A_219 : vector<16xi1>, vector<16xf32>
      %mul3A_221 = arith.constant 64 : i32
      %mul3A_222 = arith.muli %select_n3A_140, %mul3A_221 : i32
      %add3A_223 = arith.addi %mul3A_60, %mul3A_222 : i32
      %add3A_224 = arith.constant 16 : i32
      %add3A_225 = arith.addi %add3A_223, %add3A_224 : i32
      %swap3A_226 = arith.index_cast %select_n3A_124 : i32 to index
      %swap3A_227 = arith.index_cast %add3A_225 : i32 to index
      %swap3A_228 = tpu.vector_load %arg6[%swap3A_226, %swap3A_227] {strides = array<i32>} : memref<8x1024xf32, #tpu.memory_space<vmem>>, vector<1x16xf32>,
      %swap3A_229 = vector.shape_cast %swap3A_228 : vector<1x16xf32> to vector<16xf32>
      %swap3A_230 = vector.shape_cast %select_n3A_220 : vector<16xf32> to vector<1x16xf32>
      tpu.vector_store %arg6[%swap3A_226, %swap3A_227], %swap3A_230 {strides = array<i32>} : memref<8x1024xf32, #tpu.memory_space<vmem>>, vector<1x16xf32>,
      %add3A_231 = arith.constant 32 : i32
      %add3A_232 = vector.broadcast %add3A_231 : i32 to vector<16xi32>
      %add3A_233 = arith.addi %add3A_232, %iota3A : vector<16xi32>
      %sub3A_234 = vector.broadcast %add3A_143 : i32 to vector<16xi32>
      %sub3A_235 = arith.subi %add3A_233, %sub3A_234 : vector<16xi32>
      %add3A_236 = arith.constant 7 : i32
      %add3A_237 = vector.broadcast %add3A_236 : i32 to vector<16xi32>
      %add3A_238 = arith.addi %sub3A_235, %add3A_237 : vector<16xi32>
      %ge3A_239 = arith.constant 0 : i32
      %ge3A_240 = vector.broadcast %ge3A_239 : i32 to vector<16xi32>
      %ge3A_241 = arith.cmpi sge, %add3A_238, %ge3A_240 : vector<16xi32>
      %lt3A_242 = arith.constant 15 : i32
      %lt3A_243 = vector.broadcast %lt3A_242 : i32 to vector<16xi32>
      %lt3A_244 = arith.cmpi slt, %add3A_238, %lt3A_243 : vector<16xi32>
      %and3A_245 = arith.andi %ge3A_241, %lt3A_244 : vector<16xi1>
      %jit3A_246 = arith.constant 0 : i32
      %jit3A_247 = arith.constant 14 : i32
      %max3A_248 = vector.broadcast %jit3A_246 : i32 to vector<16xi32>
      %max3A_249 = arith.maxsi %max3A_248, %add3A_238 : vector<16xi32>
      %min3A_250 = vector.broadcast %jit3A_247 : i32 to vector<16xi32>
      %min3A_251 = arith.minsi %min3A_250, %max3A_249 : vector<16xi32>
      %lt3A_252 = arith.constant 0 : i32
      %lt3A_253 = vector.broadcast %lt3A_252 : i32 to vector<16xi32>
      %lt3A_254 = arith.cmpi slt, %min3A_251, %lt3A_253 : vector<16xi32>
      %add3A_255 = arith.constant 16 : i32
      %add3A_256 = vector.broadcast %add3A_255 : i32 to vector<16xi32>
      %add3A_257 = arith.addi %min3A_251, %add3A_256 : vector<16xi32>
      %select_n3A_258 = arith.select %lt3A_254, %add3A_257, %min3A_251 : vector<16xi1>, vector<16xi32>
      %broadcast_in_dim3A_259 = vector.shape_cast %select_n3A_258 : vector<16xi32> to vector<16x1xi32>
      %gather3A_260 = vector.shape_cast %broadcast_in_dim3A_259 : vector<16x1xi32> to vector<16xi32>
      %gather3A_261 = tpu.dynamic_gather %get3A_147[%gather3A_260] in [0] : vector<16xf32>, vector<16xi32> -> vector<16xf32>
      %jit3A_262 = arith.constant 0.000000e+00 : f32
      %broadcast_in_dim3A_263 = vector.broadcast %jit3A_262 : f32 to vector<16xf32>
      %select_n3A_264 = arith.select %and3A_245, %gather3A_261, %broadcast_in_dim3A_263 : vector<16xi1>, vector<16xf32>
      %mul3A_265 = arith.constant 64 : i32
      %mul3A_266 = arith.muli %select_n3A_140, %mul3A_265 : i32
      %add3A_267 = arith.addi %mul3A_60, %mul3A_266 : i32
      %add3A_268 = arith.constant 32 : i32
      %add3A_269 = arith.addi %add3A_267, %add3A_268 : i32
      %swap3A_270 = arith.index_cast %select_n3A_124 : i32 to index
      %swap3A_271 = arith.index_cast %add3A_269 : i32 to index
      %swap3A_272 = tpu.vector_load %arg6[%swap3A_270, %swap3A_271] {strides = array<i32>} : memref<8x1024xf32, #tpu.memory_space<vmem>>, vector<1x16xf32>,
      %swap3A_273 = vector.shape_cast %swap3A_272 : vector<1x16xf32> to vector<16xf32>
      %swap3A_274 = vector.shape_cast %select_n3A_264 : vector<16xf32> to vector<1x16xf32>
      tpu.vector_store %arg6[%swap3A_270, %swap3A_271], %swap3A_274 {strides = array<i32>} : memref<8x1024xf32, #tpu.memory_space<vmem>>, vector<1x16xf32>,
      %add3A_275 = arith.constant 48 : i32
      %add3A_276 = vector.broadcast %add3A_275 : i32 to vector<16xi32>
      %add3A_277 = arith.addi %add3A_276, %iota3A : vector<16xi32>
      %sub3A_278 = vector.broadcast %add3A_143 : i32 to vector<16xi32>
      %sub3A_279 = arith.subi %add3A_277, %sub3A_278 : vector<16xi32>
      %add3A_280 = arith.constant 7 : i32
      %add3A_281 = vector.broadcast %add3A_280 : i32 to vector<16xi32>
      %add3A_282 = arith.addi %sub3A_279, %add3A_281 : vector<16xi32>
      %ge3A_283 = arith.constant 0 : i32
      %ge3A_284 = vector.broadcast %ge3A_283 : i32 to vector<16xi32>
      %ge3A_285 = arith.cmpi sge, %add3A_282, %ge3A_284 : vector<16xi32>
      %lt3A_286 = arith.constant 15 : i32
      %lt3A_287 = vector.broadcast %lt3A_286 : i32 to vector<16xi32>
      %lt3A_288 = arith.cmpi slt, %add3A_282, %lt3A_287 : vector<16xi32>
      %and3A_289 = arith.andi %ge3A_285, %lt3A_288 : vector<16xi1>
      %jit3A_290 = arith.constant 0 : i32
      %jit3A_291 = arith.constant 14 : i32
      %max3A_292 = vector.broadcast %jit3A_290 : i32 to vector<16xi32>
      %max3A_293 = arith.maxsi %max3A_292, %add3A_282 : vector<16xi32>
      %min3A_294 = vector.broadcast %jit3A_291 : i32 to vector<16xi32>
      %min3A_295 = arith.minsi %min3A_294, %max3A_293 : vector<16xi32>
      %lt3A_296 = arith.constant 0 : i32
      %lt3A_297 = vector.broadcast %lt3A_296 : i32 to vector<16xi32>
      %lt3A_298 = arith.cmpi slt, %min3A_295, %lt3A_297 : vector<16xi32>
      %add3A_299 = arith.constant 16 : i32
      %add3A_300 = vector.broadcast %add3A_299 : i32 to vector<16xi32>
      %add3A_301 = arith.addi %min3A_295, %add3A_300 : vector<16xi32>
      %select_n3A_302 = arith.select %lt3A_298, %add3A_301, %min3A_295 : vector<16xi1>, vector<16xi32>
      %broadcast_in_dim3A_303 = vector.shape_cast %select_n3A_302 : vector<16xi32> to vector<16x1xi32>
      %gather3A_304 = vector.shape_cast %broadcast_in_dim3A_303 : vector<16x1xi32> to vector<16xi32>
      %gather3A_305 = tpu.dynamic_gather %get3A_147[%gather3A_304] in [0] : vector<16xf32>, vector<16xi32> -> vector<16xf32>
      %jit3A_306 = arith.constant 0.000000e+00 : f32
      %broadcast_in_dim3A_307 = vector.broadcast %jit3A_306 : f32 to vector<16xf32>
      %select_n3A_308 = arith.select %and3A_289, %gather3A_305, %broadcast_in_dim3A_307 : vector<16xi1>, vector<16xf32>
      %mul3A_309 = arith.constant 64 : i32
      %mul3A_310 = arith.muli %select_n3A_140, %mul3A_309 : i32
      %add3A_311 = arith.addi %mul3A_60, %mul3A_310 : i32
      %add3A_312 = arith.constant 48 : i32
      %add3A_313 = arith.addi %add3A_311, %add3A_312 : i32
      %swap3A_314 = arith.index_cast %select_n3A_124 : i32 to index
      %swap3A_315 = arith.index_cast %add3A_313 : i32 to index
      %swap3A_316 = tpu.vector_load %arg6[%swap3A_314, %swap3A_315] {strides = array<i32>} : memref<8x1024xf32, #tpu.memory_space<vmem>>, vector<1x16xf32>,
      %swap3A_317 = vector.shape_cast %swap3A_316 : vector<1x16xf32> to vector<16xf32>
      %swap3A_318 = vector.shape_cast %select_n3A_308 : vector<16xf32> to vector<1x16xf32>
      tpu.vector_store %arg6[%swap3A_314, %swap3A_315], %swap3A_318 {strides = array<i32>} : memref<8x1024xf32, #tpu.memory_space<vmem>>, vector<1x16xf32>,
    }
    %scan3A_72 = arith.constant 120 : i32
    %eq3A_73 = arith.constant 0 : i32
    %eq3A_74 = arith.cmpi eq, %select_n3A, %eq3A_73 : i32
    %convert_element_type3A_75 = arith.extui %eq3A_74 : i1 to i32
    %cond3A_76 = arith.constant 0 : i32
    %cond3A_77 = arith.cmpi ne, %convert_element_type3A_75, %cond3A_76 : i32
    scf.if %cond3A_77 {
      %dma_wait3A_100 = arith.constant 0 : i32
      %dma_wait3A_101 = tpu.memref_slice %arg7[%multiple_of3A, %dma_wait3A_100] : memref<64x6144xf32, #tpu.memory_space<vmem_shared>> -> memref<8x6144xf32, #tpu.memory_space<vmem_shared>>
      %dma_wait3A_102 = arith.constant 0 : i32
      %dma_wait3A_103 = tpu.memref_slice %arg7[%multiple_of3A, %dma_wait3A_102] : memref<64x6144xf32, #tpu.memory_space<vmem_shared>> -> memref<8x6144xf32, #tpu.memory_space<vmem_shared>>
      tpu.wait_dma2 semaphore(%arg10 : memref<!tpu.dma_semaphore, #tpu.memory_space<semaphore_mem>>) src(%arg5 : memref<8x6144xf32, #tpu.memory_space<vmem>>) dst(%dma_wait3A_103 : memref<8x6144xf32, #tpu.memory_space<vmem_shared>>)
      "tpu.region"() ({
        %run_scoped3A = tpu.sem_alloc : memref<!tpu.dma_semaphore, #tpu.memory_space<semaphore_mem>>
        %dma_start3A = tpu.memref_slice %arg7[%multiple_of3A, %multiple_of3A_66] : memref<64x6144xf32, #tpu.memory_space<vmem_shared>> -> memref<8x1024xf32, #tpu.memory_space<vmem_shared>>
        %dma_start3A_104 = tpu.memref_slice %arg7[%multiple_of3A, %multiple_of3A_66] : memref<64x6144xf32, #tpu.memory_space<vmem_shared>> -> memref<8x1024xf32, #tpu.memory_space<vmem_shared>>
        tpu.enqueue_dma source(%arg6 : memref<8x1024xf32, #tpu.memory_space<vmem>>) target(%dma_start3A_104 : memref<8x1024xf32, #tpu.memory_space<vmem_shared>>) target_semaphore(%run_scoped3A : memref<!tpu.dma_semaphore, #tpu.memory_space<semaphore_mem>>)
        %dma_wait3A_105 = tpu.memref_slice %arg7[%multiple_of3A, %multiple_of3A_66] : memref<64x6144xf32, #tpu.memory_space<vmem_shared>> -> memref<8x1024xf32, #tpu.memory_space<vmem_shared>>
        %dma_wait3A_106 = tpu.memref_slice %arg7[%multiple_of3A, %multiple_of3A_66] : memref<64x6144xf32, #tpu.memory_space<vmem_shared>> -> memref<8x1024xf32, #tpu.memory_space<vmem_shared>>
        tpu.wait_dma2 semaphore(%run_scoped3A : memref<!tpu.dma_semaphore, #tpu.memory_space<semaphore_mem>>) src(%arg6 : memref<8x1024xf32, #tpu.memory_space<vmem>>) dst(%dma_wait3A_106 : memref<8x1024xf32, #tpu.memory_space<vmem_shared>>)
        tpu.yield
      }) : () -> ()
    } else {
    }
    %eq3A_78 = arith.constant 1 : i32
    %eq3A_79 = arith.cmpi eq, %select_n3A, %eq3A_78 : i32
    %convert_element_type3A_80 = arith.extui %eq3A_79 : i1 to i32
    %cond3A_81 = arith.constant 0 : i32
    %cond3A_82 = arith.cmpi ne, %convert_element_type3A_80, %cond3A_81 : i32
    scf.if %cond3A_82 {
      %dma_wait3A_100 = arith.constant 0 : i32
      %dma_wait3A_101 = tpu.memref_slice %arg8[%multiple_of3A, %dma_wait3A_100] : memref<64x6144xf32, #tpu.memory_space<vmem_shared>> -> memref<8x6144xf32, #tpu.memory_space<vmem_shared>>
      %dma_wait3A_102 = arith.constant 0 : i32
      %dma_wait3A_103 = tpu.memref_slice %arg8[%multiple_of3A, %dma_wait3A_102] : memref<64x6144xf32, #tpu.memory_space<vmem_shared>> -> memref<8x6144xf32, #tpu.memory_space<vmem_shared>>
      tpu.wait_dma2 semaphore(%arg10 : memref<!tpu.dma_semaphore, #tpu.memory_space<semaphore_mem>>) src(%arg5 : memref<8x6144xf32, #tpu.memory_space<vmem>>) dst(%dma_wait3A_103 : memref<8x6144xf32, #tpu.memory_space<vmem_shared>>)
      "tpu.region"() ({
        %run_scoped3A = tpu.sem_alloc : memref<!tpu.dma_semaphore, #tpu.memory_space<semaphore_mem>>
        %dma_start3A = tpu.memref_slice %arg8[%multiple_of3A, %multiple_of3A_66] : memref<64x6144xf32, #tpu.memory_space<vmem_shared>> -> memref<8x1024xf32, #tpu.memory_space<vmem_shared>>
        %dma_start3A_104 = tpu.memref_slice %arg8[%multiple_of3A, %multiple_of3A_66] : memref<64x6144xf32, #tpu.memory_space<vmem_shared>> -> memref<8x1024xf32, #tpu.memory_space<vmem_shared>>
        tpu.enqueue_dma source(%arg6 : memref<8x1024xf32, #tpu.memory_space<vmem>>) target(%dma_start3A_104 : memref<8x1024xf32, #tpu.memory_space<vmem_shared>>) target_semaphore(%run_scoped3A : memref<!tpu.dma_semaphore, #tpu.memory_space<semaphore_mem>>)
        %dma_wait3A_105 = tpu.memref_slice %arg8[%multiple_of3A, %multiple_of3A_66] : memref<64x6144xf32, #tpu.memory_space<vmem_shared>> -> memref<8x1024xf32, #tpu.memory_space<vmem_shared>>
        %dma_wait3A_106 = tpu.memref_slice %arg8[%multiple_of3A, %multiple_of3A_66] : memref<64x6144xf32, #tpu.memory_space<vmem_shared>> -> memref<8x1024xf32, #tpu.memory_space<vmem_shared>>
        tpu.wait_dma2 semaphore(%run_scoped3A : memref<!tpu.dma_semaphore, #tpu.memory_space<semaphore_mem>>) src(%arg6 : memref<8x1024xf32, #tpu.memory_space<vmem>>) dst(%dma_wait3A_106 : memref<8x1024xf32, #tpu.memory_space<vmem_shared>>)
        tpu.yield
      }) : () -> ()
    } else {
    }
    %barrier3A = arith.constant 0 : index
    tpu.barrier barrier_id(%barrier3A)
    %scan3A_83 = arith.constant 0 : i32
    %scan3A_84 = arith.constant 0 : i32
    %scan3A_85 = arith.constant 16 : i32
    %scan3A_86 = arith.addi %scan3A_84, %scan3A_85 : i32
    %scan3A_87 = arith.constant 1 : i32
    scf.for %scan3A_100 = %scan3A_84 to %scan3A_86 step %scan3A_87  : i32 {
      %mul3A_101 = arith.constant 32 : i32
      %mul3A_102 = arith.muli %arg0, %mul3A_101 : i32
      %mul3A_103 = arith.constant 2 : i32
      %mul3A_104 = arith.muli %mul3A_103, %scan3A_100 : i32
      %add3A_105 = arith.addi %mul3A_102, %mul3A_104 : i32
      %sub3A_106 = arith.constant 15 : i32
      %sub3A_107 = arith.subi %sub3A_106, %scan3A_100 : i32
      %mul3A_108 = arith.constant 128 : i32
      %mul3A_109 = arith.muli %sub3A_107, %mul3A_108 : i32
      %mul3A_110 = arith.constant 2 : i32
      %mul3A_111 = arith.muli %arg1, %mul3A_110 : i32
      %add3A_112 = arith.constant 0 : i32
      %add3A_113 = arith.addi %mul3A_111, %add3A_112 : i32
      %mul3A_114 = arith.constant 128 : i32
      %mul3A_115 = arith.muli %add3A_113, %mul3A_114 : i32
      %add3A_116 = arith.addi %mul3A_109, %mul3A_115 : i32
      %multiple_of3A_117 = tpu.assume_multiple %add3A_116, 128 : i32
      %mul3A_118 = arith.constant 128 : i32
      %mul3A_119 = arith.muli %add3A_113, %mul3A_118 : i32
      %multiple_of3A_120 = tpu.assume_multiple %mul3A_119, 128 : i32
      %mul3A_121 = arith.constant 64 : i32
      %mul3A_122 = arith.muli %add3A_105, %mul3A_121 : i32
      %multiple_of3A_123 = tpu.assume_multiple %mul3A_122, 64 : i32
      %dma_start3A = tpu.memref_slice %arg3[%multiple_of3A_123, %multiple_of3A_120] : memref<4096x4096xf32, #tpu.memory_space<hbm>> -> memref<64x128xf32, #tpu.memory_space<hbm>>
      %dma_start3A_124 = arith.constant 0 : i32
      %dma_start3A_125 = tpu.memref_slice %arg8[%dma_start3A_124, %multiple_of3A_117] : memref<64x6144xf32, #tpu.memory_space<vmem_shared>> -> memref<64x128xf32, #tpu.memory_space<vmem_shared>>
      tpu.enqueue_dma source(%dma_start3A_125 : memref<64x128xf32, #tpu.memory_space<vmem_shared>>) target(%dma_start3A : memref<64x128xf32, #tpu.memory_space<hbm>>) target_semaphore(%arg9 : memref<!tpu.dma_semaphore, #tpu.memory_space<semaphore_mem>>)
      %add3A_126 = arith.constant 1 : i32
      %add3A_127 = arith.addi %add3A_105, %add3A_126 : i32
      %mul3A_128 = arith.constant 64 : i32
      %mul3A_129 = arith.muli %add3A_127, %mul3A_128 : i32
      %multiple_of3A_130 = tpu.assume_multiple %mul3A_129, 64 : i32
      %dma_start3A_131 = tpu.memref_slice %arg3[%multiple_of3A_130, %multiple_of3A_120] : memref<4096x4096xf32, #tpu.memory_space<hbm>> -> memref<64x128xf32, #tpu.memory_space<hbm>>
      %dma_start3A_132 = arith.constant 0 : i32
      %dma_start3A_133 = tpu.memref_slice %arg7[%dma_start3A_132, %multiple_of3A_117] : memref<64x6144xf32, #tpu.memory_space<vmem_shared>> -> memref<64x128xf32, #tpu.memory_space<vmem_shared>>
      tpu.enqueue_dma source(%dma_start3A_133 : memref<64x128xf32, #tpu.memory_space<vmem_shared>>) target(%dma_start3A_131 : memref<64x128xf32, #tpu.memory_space<hbm>>) target_semaphore(%arg9 : memref<!tpu.dma_semaphore, #tpu.memory_space<semaphore_mem>>)
      %mul3A_134 = arith.constant 2 : i32
      %mul3A_135 = arith.muli %arg1, %mul3A_134 : i32
      %add3A_136 = arith.constant 1 : i32
      %add3A_137 = arith.addi %mul3A_135, %add3A_136 : i32
      %mul3A_138 = arith.constant 128 : i32
      %mul3A_139 = arith.muli %add3A_137, %mul3A_138 : i32
      %add3A_140 = arith.addi %mul3A_109, %mul3A_139 : i32
      %multiple_of3A_141 = tpu.assume_multiple %add3A_140, 128 : i32
      %mul3A_142 = arith.constant 128 : i32
      %mul3A_143 = arith.muli %add3A_137, %mul3A_142 : i32
      %multiple_of3A_144 = tpu.assume_multiple %mul3A_143, 128 : i32
      %mul3A_145 = arith.constant 64 : i32
      %mul3A_146 = arith.muli %add3A_105, %mul3A_145 : i32
      %multiple_of3A_147 = tpu.assume_multiple %mul3A_146, 64 : i32
      %dma_start3A_148 = tpu.memref_slice %arg3[%multiple_of3A_147, %multiple_of3A_144] : memref<4096x4096xf32, #tpu.memory_space<hbm>> -> memref<64x128xf32, #tpu.memory_space<hbm>>
      %dma_start3A_149 = arith.constant 0 : i32
      %dma_start3A_150 = tpu.memref_slice %arg8[%dma_start3A_149, %multiple_of3A_141] : memref<64x6144xf32, #tpu.memory_space<vmem_shared>> -> memref<64x128xf32, #tpu.memory_space<vmem_shared>>
      tpu.enqueue_dma source(%dma_start3A_150 : memref<64x128xf32, #tpu.memory_space<vmem_shared>>) target(%dma_start3A_148 : memref<64x128xf32, #tpu.memory_space<hbm>>) target_semaphore(%arg9 : memref<!tpu.dma_semaphore, #tpu.memory_space<semaphore_mem>>)
      %add3A_151 = arith.constant 1 : i32
      %add3A_152 = arith.addi %add3A_105, %add3A_151 : i32
      %mul3A_153 = arith.constant 64 : i32
      %mul3A_154 = arith.muli %add3A_152, %mul3A_153 : i32
      %multiple_of3A_155 = tpu.assume_multiple %mul3A_154, 64 : i32
      %dma_start3A_156 = tpu.memref_slice %arg3[%multiple_of3A_155, %multiple_of3A_144] : memref<4096x4096xf32, #tpu.memory_space<hbm>> -> memref<64x128xf32, #tpu.memory_space<hbm>>
      %dma_start3A_157 = arith.constant 0 : i32
      %dma_start3A_158 = tpu.memref_slice %arg7[%dma_start3A_157, %multiple_of3A_141] : memref<64x6144xf32, #tpu.memory_space<vmem_shared>> -> memref<64x128xf32, #tpu.memory_space<vmem_shared>>
      tpu.enqueue_dma source(%dma_start3A_158 : memref<64x128xf32, #tpu.memory_space<vmem_shared>>) target(%dma_start3A_156 : memref<64x128xf32, #tpu.memory_space<hbm>>) target_semaphore(%arg9 : memref<!tpu.dma_semaphore, #tpu.memory_space<semaphore_mem>>)
    }
    %scan3A_88 = arith.constant 16 : i32
    %dma_wait3A = arith.constant 0 : i32
    %dma_wait3A_89 = arith.constant 0 : i32
    %dma_wait3A_90 = tpu.memref_slice %arg7[%dma_wait3A, %dma_wait3A_89] : memref<64x6144xf32, #tpu.memory_space<vmem_shared>> -> memref<64x4096xf32, #tpu.memory_space<vmem_shared>>
    %dma_wait3A_91 = arith.constant 0 : i32
    %dma_wait3A_92 = arith.constant 0 : i32
    %dma_wait3A_93 = tpu.memref_slice %arg3[%dma_wait3A_91, %dma_wait3A_92] : memref<4096x4096xf32, #tpu.memory_space<hbm>> -> memref<64x4096xf32, #tpu.memory_space<hbm>>
    tpu.wait_dma2 semaphore(%arg9 : memref<!tpu.dma_semaphore, #tpu.memory_space<semaphore_mem>>) src(%dma_wait3A_93 : memref<64x4096xf32, #tpu.memory_space<hbm>>) dst(%dma_wait3A_90 : memref<64x4096xf32, #tpu.memory_space<vmem_shared>>)
    %dma_wait3A_94 = arith.constant 0 : i32
    %dma_wait3A_95 = arith.constant 0 : i32
    %dma_wait3A_96 = tpu.memref_slice %arg7[%dma_wait3A_94, %dma_wait3A_95] : memref<64x6144xf32, #tpu.memory_space<vmem_shared>> -> memref<64x4096xf32, #tpu.memory_space<vmem_shared>>
    %dma_wait3A_97 = arith.constant 0 : i32
    %dma_wait3A_98 = arith.constant 0 : i32
    %dma_wait3A_99 = tpu.memref_slice %arg3[%dma_wait3A_97, %dma_wait3A_98] : memref<4096x4096xf32, #tpu.memory_space<hbm>> -> memref<64x4096xf32, #tpu.memory_space<hbm>>
    tpu.wait_dma2 semaphore(%arg9 : memref<!tpu.dma_semaphore, #tpu.memory_space<semaphore_mem>>) src(%dma_wait3A_99 : memref<64x4096xf32, #tpu.memory_space<hbm>>) dst(%dma_wait3A_96 : memref<64x4096xf32, #tpu.memory_space<vmem_shared>>)
    return
  }
}

</mosaic_0001>

<sc_bundles>
// kernel: kernel.3.cloned.1.call-start
scs
__scs_entry_jumppad:
0x0: {  	(pc) =	sbr.rel $0x88, $3  }
0x1: {  	(tag) =	ssettag $0x0;
	lr =	simm.s32 $0x1  }
0x2: {  	[smem:$0x3FA0] =	sst lr;
	_ =	strace $0xD0000000  }
0x3: {  	_ = 	snop  }
0x4: {  	_ = 	snop  }
0x5: {  	_ = 	snop  }
0x6: {  	_ = 	snop  }
0x7: {  	_ = 	snop  }
__scs_overlays_trampoline_lowered:
0x8: {  	[smem:$0x3FAF] =	sst s0  }
0x9: {  	[smem:$0x3FB0] =	sst s1  }
0xa: {  	[smem:$0x3FB1] =	sst s2  }
0xb: {  	[smem:$0x3FB2] =	sst s3  }
0xc: {  	[smem:$0x3FB3] =	sst s4  }
0xd: {  	[smem:$0x3FB4] =	sst s5  }
0xe: {  	[smem:$0x3FB5] =	sst s6  }
0xf: {  	[smem:$0x3FB6] =	sst s7  }
0x10: {  	[smem:$0x3FB7] =	sst s8  }
0x11: {  	[smem:$0x3FB8] =	sst s9;
	s0 =	simm.s32 @!p0 $0x0  }
0x12: {  	s1 =	sld [smem:$0x3F9E];
	s0 =	simm.s32 @p0 $0x1  }
0x13: {  	[smem:$0x3FB9] =	sst s0;
	s0 =	simm.s32 @!p1 $0x0  }
0x14: {  	s2 =	sld [smem:$0x3F9D];
	s0 =	simm.s32 @p1 $0x1  }
0x15: {  	[smem:$0x3FBA] =	sst s0;
	s0 =	simm.s32 @!p2 $0x0  }
0x16: {  	s3 =	sld [smem:$0x3FDB];
	s0 =	simm.s32 @p2 $0x1  }
0x17: {  	s4 =	simm.s32 $0x1BF5;
	[smem:$0x3FBC] =	sst s0  }
0x18: {  	s0 =	sld [smem:$0x3F9F];
	_ =	swait.ge [sflag:s4], $0x0  }
0x19: {  	s7 =	sld [smem:$0x3FA0]  }
0x1a: {  	s8 =	sadd.s32 $0xFFFFE003, lr  }
0x1b: {  	s9 =	sadd.s32 $0xFFFFFEF7, lr;
	s5 =	simm.s32 $0xFFFFFFFF;
	p2 =	slt.u32 s8, $0xFFFFF086  }
0x1c: {  	p1 =	slt.u32 s9, $0xF7A;
	s5 =	simm.s32 @!p2 $0x0  }
0x1d: {  	s5 =	simm.s32 @p1 $0x1;
	p0 =	seq.s32 s7, s2  }
0x1e: {  	s7 =	smul.u32 @!p0 $0xF7A, s2;
	p2 =	seq.s32 @!p0 s5, $0x0  }
0x1f: {  	s9 =	smul.u32 $0xF7A, s1;
	s8 =	simm.s32 @!p0 $0x1BF5;
	p2 =	por !p2, p0  }
0x20: {  	[sflag:s8] =	ssyncset.s32 @!p0 $0xFFFFF086;
	s6 =	sadd.s32 @!p0 s3, s7;
	s7 =	simm.s32 @!p0 $0x108  }
0x21: {  	s3 =	sadd.s32 s3, s9;
	s6 =	sadd.s32 @!p0 $0x88, s6;
	s7 =	simm.s32 @p2 $0x1082  }
0x22: {  	[simem:s7], [sflag:s8] =	dma.local @!p0 [hbm:s6], $0xF7A  }
0x23: {  	s9 =	sor.u32 $0xD0000000, s2;
	s6 =	simm.s32 $0x108;
	_ =	swait.ge @!p0 [sflag:s8], $0x0  }
0x24: {  	s3 =	sadd.s32 $0x88, s3;
	s6 =	simm.s32 @!p1 $0x1082;
	[sflag:s4] =	ssyncset.s32 $0xFFFFF086  }
0x25: {  	[simem:s6], [sflag:s4] =	dma.local [hbm:s3], $0xF7A  }
0x26: {  	[smem:$0x3FA0] =	sst s1;
	(tag) =	ssettag s2;
	_ =	strace s9  }
0x27: {  	s1 =	sld [smem:$0x3FB0]  }
0x28: {  	s2 =	sld [smem:$0x3FB1]  }
0x29: {  	s4 =	sld [smem:$0x3FB3]  }
0x2a: {  	p0 =	seq.s32 s5, $0x0;
	s5 =	sld [smem:$0x3FB4]  }
0x2b: {  	s6 =	sld [smem:$0x3FB5]  }
0x2c: {  	s7 =	sld [smem:$0x3FB6]  }
0x2d: {  	s3 =	simm.s32 $0x108;
	s8 =	sld [smem:$0x3FB7]  }
0x2e: {  	s3 =	simm.s32 @!p0 $0x1082;
	s9 =	sld [smem:$0x3FB8]  }
0x2f: {  	lr =	sadd.s32 s0, s3;
	s0 =	sld [smem:$0x3FAF]  }
0x30: {  	s3 =	sld [smem:$0x3FB2]  }
0x31: {  	[smem:$0x3FBB] =	sst s10  }
0x32: {  	s10 =	sld [smem:$0x3FB9];
	_ =	sdelay $0x3  }
0x33: {  	p0 =	seq.s32 s10, $0x1;
	s10 =	sld [smem:$0x3FBB];
	_ =	sdelay $0x3  }
0x34: {  	[smem:$0x3FBB] =	sst s10  }
0x35: {  	s10 =	sld [smem:$0x3FBA];
	_ =	sdelay $0x3  }
0x36: {  	p1 =	seq.s32 s10, $0x1;
	s10 =	sld [smem:$0x3FBB];
	_ =	sdelay $0x3  }
0x37: {  	[smem:$0x3FBB] =	sst s10  }
0x38: {  	s10 =	sld [smem:$0x3FBC]  }
0x39: {  	_ = 	snop;
	(pc) =	sbr.ind lr, $3  }
0x3a: {  	_ = 	snop  }
0x3b: {  	_ = 	snop  }
0x3c: {  	p2 =	seq.s32 s10, $0x1;
	s10 =	sld [smem:$0x3FBB]  }
0x3d: {  	_ =	shalt  }
0x3e: {  	_ =	shalt  }
0x3f: {  	_ =	shalt  }
0x40: {  	_ =	shalt  }
0x41: {  	_ =	shalt  }
0x42: {  	_ =	shalt  }
0x43: {  	_ =	shalt  }
0x44: {  	_ =	shalt  }
0x45: {  	_ =	shalt  }
0x46: {  	_ =	shalt  }
0x47: {  	_ =	shalt  }
0x48: {  	_ =	shalt  }
0x49: {  	_ =	shalt  }
0x4a: {  	_ =	shalt  }
0x4b: {  	_ =	shalt  }
0x4c: {  	_ =	shalt  }
0x4d: {  	_ =	shalt  }
0x4e: {  	_ =	shalt  }
0x4f: {  	_ =	shalt  }
0x50: {  	_ =	shalt  }
0x51: {  	_ =	shalt  }
0x52: {  	_ =	shalt  }
0x53: {  	_ =	shalt  }
0x54: {  	_ =	shalt  }
0x55: {  	_ =	shalt  }
0x56: {  	_ =	shalt  }
0x57: {  	_ =	shalt  }
0x58: {  	_ =	shalt  }
0x59: {  	_ =	shalt  }
0x5a: {  	_ =	shalt  }
0x5b: {  	_ =	shalt  }
0x5c: {  	_ =	shalt  }
0x5d: {  	_ =	shalt  }
0x5e: {  	_ =	shalt  }
0x5f: {  	_ =	shalt  }
0x60: {  	_ =	shalt  }
0x61: {  	_ =	shalt  }
0x62: {  	_ =	shalt  }
0x63: {  	_ =	shalt  }
0x64: {  	_ =	shalt  }
0x65: {  	_ =	shalt  }
0x66: {  	_ =	shalt  }
0x67: {  	_ =	shalt  }
0x68: {  	_ =	shalt  }
0x69: {  	_ =	shalt  }
0x6a: {  	_ =	shalt  }
0x6b: {  	_ =	shalt  }
0x6c: {  	_ =	shalt  }
0x6d: {  	_ =	shalt  }
0x6e: {  	_ =	shalt  }
0x6f: {  	_ =	shalt  }
0x70: {  	_ =	shalt  }
0x71: {  	_ =	shalt  }
0x72: {  	_ =	shalt  }
0x73: {  	_ =	shalt  }
0x74: {  	_ =	shalt  }
0x75: {  	_ =	shalt  }
0x76: {  	_ =	shalt  }
0x77: {  	_ =	shalt  }
0x78: {  	_ =	shalt  }
0x79: {  	_ =	shalt  }
0x7a: {  	_ =	shalt  }
0x7b: {  	_ =	shalt  }
0x7c: {  	_ =	shalt  }
0x7d: {  	_ =	shalt  }
0x7e: {  	_ =	shalt  }
0x7f: {  	_ =	shalt  }
0x80: {  	_ =	shalt  }
0x81: {  	_ =	shalt  }
0x82: {  	_ =	shalt  }
0x83: {  	_ =	shalt  }
0x84: {  	_ =	shalt  }
0x85: {  	_ =	shalt  }
0x86: {  	_ =	shalt  }
0x87: {  	_ =	shalt  }
.Lfunc_end0:
.L_simem_size_0:
called_computation_lowered:
.L_overlay_start_0:
0x88: {  	s2 =	sld [smem:$0x3FD9]  }
0x89: {  	s3 =	sld [smem:$0x3FFE];
	_ =	sdelay $0x1  }
0x8a: {  	s1 =	srdreg.scid  }
0x8b: {  	s0 =	sand.u32 $0x1, s1  }
0x8c: {  	s17 =	sshll.u32 s0, $0xA;
	s2 =	sadd.s32 s3, s2  }
0x8d: {  	s2 =	sadd.s32 s2, s17  }
0x8e: {  	[smem:$0x3FC7] =	sst s2  }
0x8f: {  	_ = 	snop  }
0x90: {  	s2 =	sld [smem:$0x3FD0];
	(tm) =	ssettm $0x1  }
0x91: {  	s18 =	sld [smem:$0x3FFB];
	_ =	sdelay $0x3  }
0x92: {  	_ =	strace s18  }
0x93: {  	s3 =	sld [smem:$0x3FFC];
	_ =	sdelay $0x3  }
0x94: {  	_ =	strace s3  }
0x95: {  	s3 =	sld [smem:$0x3FFD];
	_ =	sdelay $0x3  }
0x96: {  	_ =	strace s3  }
0x97: {  	_ =	strace $0x8FFFFFFF  }
0x98: {  	s19 =	sld [smem:$0x3FDB];
	_ =	sdelay $0x1  }
0x99: {  	s4 =	simm.s32 $_scs_section_size  }
0x9a: {  	s5 =	simm.s32 $_size__tile_overlayer_lowered;
	s6 =	simm.s32 $_tile_overlayer_lowered  }
0x9b: {  	s22 =	simm.s32 $0x1BFF;
	s21 =	sshll.u32 s6, $0x1;
	s3 =	sadd.s32 s4, s19  }
0x9c: {  	s7 =	simm.s32 $0x0;
	s20 =	sshll.u32 s5, $0x1;
	s5 =	sadd.s32 s21, s3  }
0x9d: {  	[timem:s7], [sflag:s22] =	dma.local [hbm:s5], s20  }
0x9e: {  	_ =	swait.ge [sflag:s22], s20  }
0x9f: {  	s4 =	ssub.s32 $0x0, s20;
	[sflag:s22] =	ssyncset.done $0x0  }
0xa0: {  	[sflag:s22] =	ssyncadd.s32 s4;
	_ =	sdelay $0x1  }
0xa1: {  	s23 =	simm.s32 $0x1B8B  }
0xa2: {  	_ =	swait.ge [sflag:s23], $0x1  }
0xa3: {  	[sflag:s23] =	ssyncset.done $0x0  }
0xa4: {  	s25 =	simm.s32 $0x1B8E;
	s24 =	sld [smem:$0x3FFE];
	[sflag:s23] =	ssyncadd.s32 $0xFFFFFFFF  }
0xa5: {  	s26 =	simm.s32 $execute0_lowered;
	[smem:$0x3FD2] =	sst s25  }
0xa6: {  	s5 =	sshll.u32 s26, $0x1;
	_ =	strace $0x80000046;
	[dreg:$0x1] =	wrdreg $0xFFFFFFFF  }
0xa7: {  	s28 =	simm.s32 $_size_execute0_lowered;
	s3 =	sadd.s32 s3, s5;
	[dreg:$0x0] =	wrdreg $0x0  }
0xa8: {  	s5 =	sshll.u32 s28, $0x1;
	[dreg:$0x2] =	wrdreg s3  }
0xa9: {  	[dreg:$0x3] =	wrdreg s5  }
0xaa: {  	[dreg:$0x4] =	wrdreg $0xC0  }
0xab: {  	_ =	task [dreg:s7], $0x5FFFF  }
0xac: {  	[dreg:$0x1] =	wrdreg $0xFFFFFFFF  }
0xad: {  	[dreg:$0x0] =	wrdreg $0x60  }
0xae: {  	[dreg:$0x2] =	wrdreg s24  }
0xaf: {  	[dreg:$0x3] =	wrdreg s2  }
0xb0: {  	[dreg:$0x4] =	wrdreg $0xE1000  }
0xb1: {  	[dreg:$0x5] =	wrdreg $0x141000  }
0xb2: {  	[dreg:$0x6] =	wrdreg $0x9  }
0xb3: {  	_ =	task.clear_ibuf [dreg:s7], $0x7FFFF;
	_ =	strace $0x90000046  }
0xb4: {  	s29 =	simm.s32 $0x9;
	_ =	strace $0x80000048  }
0xb5: {  	_ =	swait.ge [sflag:s29], $0x1  }
0xb6: {  	[sflag:s29] =	ssyncadd.s32 $0xFFFFFFFF  }
0xb7: {  	_ =	strace $0x90000048  }
0xb8: {  	_ =	sfence  }
0xb9: {  	s30 =	sld [smem:$0x0];
	_ =	sdelay $0x2  }
0xba: {  	s31 =	sshll.u32 s1, $0xD;
	s1 =	sshrl.u32 s1, $0x2  }
0xbb: {  	s3 =	sand.u32 $0x4000, s31;
	s1 =	sadd.s32 s1, s30  }
0xbc: {  	s0 =	sor.u32 s3, s0;
	s1 =	sshll.u32 s1, $0x11  }
0xbd: {  	s0 =	sor.u32 s1, s0  }
0xbe: {  	s0 =	sadd.s32 $0x8F2B, s0  }
0xbf: {  	[sflag:s0] =	ssyncadd.remote.s32 $0x1  }
0xc0: {  	_ =	sfence.sel $0xFFFF  }
0xc1: {  	[dreg:$0x0] =	wrdreg $0xFFFFFFFF;
	(pc) =	sbr.abs _section_cstart, $3  }
0xc2: {  	[dreg:$0x1] =	wrdreg $0xFFFFFFFF  }
0xc3: {  	_ =	task.clear_ibuf [dreg:s7], $0x2FFFF;
	_ =	strace $0x9FFFFFFF  }
0xc4: {  	(tm) =	ssettm $0x7FFFFFFF  }
0xc5: {  	_ =	shalt  }
tec
execute0_lowered:
.L_overlay_start_1:
0x0: {  	(tag) =	ssettag $0x1  }
0x1: {  	s0 =	rddreg [dreg:$0x0]  }
0x2: {  	s13 =	rddreg [dreg:$0x1]  }
0x3: {  	s10 =	rddreg [dreg:$0x2]  }
0x4: {  	s7 =	rddreg [dreg:$0x3];
	s1 =	simm.s32 $0x0  }
0x5: {  	s2 =	srdreg.scid;
	s16 =	simm.s32 $0x2;
	s18 =	simm.s32 $0x8  }
0x6: {  	s19 =	simm.s32 $0x1000;
	s20 =	simm.s32 $0x1800;
	s21 =	simm.s32 $0x1  }
0x7: {  	[smem:$0x7FF] =	sst s1;
	s11 =	sand.u32 $0x1, s2;
	s3 =	sadd.s32 $0x400, s0  }
0x8: {  	s2 =	stileid.u32;
	_ =	strace $0x80000047;
	s4 =	ssub.s32 $0x2, s11  }
0x9: {  	s5 =	sshrl.u32 s2, $0x3;
	s6 =	sand.u32 $0x7, s2;
	s8 =	sshll.u32 s11, $0x5  }
0xa: {  	s12 =	sshll.u32 s2, $0xB;
	s25 =	sshll.u32 s2, $0x8;
	s15 =	sshll.u32 s11, $0x17  }
0xb: {  	s28 =	sshll.u32 s11, $0x14;
	s22 =	sshrl.u32 s4, $0x1;
	s8 =	ssub.s32 s8, s5  }
0xc: {  	p0 =	seq.s32 s5, $0x0;
	s9 =	smul.u32 $0x30000, s6;
	s29 =	sor.u32 s12, s15  }
0xd: {  	s0 =	ssub.s32 s4, s22;
	s4 =	sshll.u32 s6, $0x3;
	s14 =	sshll.u32 s8, $0xB  }
0xe: {  	s5 =	sand.u32 $0x1, s8;
	s6 =	sadd.s32 s12, s7;
	s7 =	smov.u32 @p0 s10  }
0xf: {  	s10 =	sadd.s32 s12, s10;
	s30 =	sor.u32 $0x40000, s29;
	s31 =	sshrl.u32 s29, $0x3  }
0x10: {  	s22 =	simm.s32 $0x0;
	s23 =	sshrl.u32 s9, $0x2;
	s24 =	sshra.s32 s14, $0x2  }
0x11: {  	s8 =	smax.u32 s0, $0x1;
	s0 =	sadd.s32 s28, s13;
	s12 =	sshrl.u32 s30, $0x3  }
0x12: {  	v4 =	vlaneseq.u32;
	s14 =	simm.s32 $0x3;
	s7 =	sadd.s32 s23, s7;
	s9 =	sand.u32 $0xFFFFFC00, s24  }
0x13: {  	v0 =	vimm.f32 $0.0e+00;
	v1 =	vadd.s32 $0x7, v4;
	s0 =	sadd.s32 s25, s0;
	s12 =	sadd.s32 s12, s13;
	s26 =	sadd.s32 s9, s7  }
0x14: {  	v2 =	vadd.s32 $0x17, v4;
	v3 =	vadd.s32 $0x27, v4;
	v4 =	vadd.s32 $0x37, v4;
	s13 =	sadd.s32 s31, s13;
	s11 =	sadd.s32 $0x8080, s0;
	s9 =	sadd.s32 $0x3000, s26  }
.LBB2_1:
0x15: {  	s0 =	simm.s32 $0x0  }
0x16: {  	[tilespmem:s0], [sflag:$0x3] =	stream.linear.gather [hbm4b:s3+s0], $0xE1, $0x38;
	[tilespmem:$0x1A100] =	vst v63  }
0x17: {  	_ =	swait.ge [sflag:s14], $0xE1  }
0x18: {  	[sflag:s14] =	ssyncset.done $0x0  }
0x19: {  	s23 =	simm.s32 $0x0;
	s24 =	simm.s32 $0x1000;
	[sflag:s14] =	ssyncadd.s32 $0xFFFFFF1F  }
.LBB2_2:
0x1a: {  	p0 =	sne.s32 s24, $0x2F000;
	[tilespmem:s23+$0x4F0] =	vst v0  }
0x1b: {  	[tilespmem:s23+$0x100] =	vst v0  }
0x1c: {  	[tilespmem:s23+$0x110] =	vst v0  }
0x1d: {  	[tilespmem:s23+$0x120] =	vst v0  }
0x1e: {  	[tilespmem:s23+$0x130] =	vst v0  }
0x1f: {  	[tilespmem:s23+$0x140] =	vst v0  }
0x20: {  	[tilespmem:s23+$0x150] =	vst v0  }
0x21: {  	[tilespmem:s23+$0x160] =	vst v0  }
0x22: {  	[tilespmem:s23+$0x170] =	vst v0  }
0x23: {  	[tilespmem:s23+$0x180] =	vst v0  }
0x24: {  	[tilespmem:s23+$0x190] =	vst v0  }
0x25: {  	[tilespmem:s23+$0x1A0] =	vst v0  }
0x26: {  	[tilespmem:s23+$0x1B0] =	vst v0  }
0x27: {  	[tilespmem:s23+$0x1C0] =	vst v0  }
0x28: {  	[tilespmem:s23+$0x1D0] =	vst v0  }
0x29: {  	[tilespmem:s23+$0x1E0] =	vst v0  }
0x2a: {  	[tilespmem:s23+$0x1F0] =	vst v0  }
0x2b: {  	[tilespmem:s23+$0x200] =	vst v0  }
0x2c: {  	[tilespmem:s23+$0x210] =	vst v0  }
0x2d: {  	[tilespmem:s23+$0x220] =	vst v0  }
0x2e: {  	[tilespmem:s23+$0x230] =	vst v0  }
0x2f: {  	[tilespmem:s23+$0x240] =	vst v0  }
0x30: {  	[tilespmem:s23+$0x250] =	vst v0  }
0x31: {  	[tilespmem:s23+$0x260] =	vst v0  }
0x32: {  	[tilespmem:s23+$0x270] =	vst v0  }
0x33: {  	[tilespmem:s23+$0x280] =	vst v0  }
0x34: {  	[tilespmem:s23+$0x290] =	vst v0  }
0x35: {  	[tilespmem:s23+$0x2A0] =	vst v0  }
0x36: {  	[tilespmem:s23+$0x2B0] =	vst v0  }
0x37: {  	[tilespmem:s23+$0x2C0] =	vst v0  }
0x38: {  	[tilespmem:s23+$0x2D0] =	vst v0  }
0x39: {  	[tilespmem:s23+$0x2E0] =	vst v0  }
0x3a: {  	[tilespmem:s23+$0x2F0] =	vst v0  }
0x3b: {  	[tilespmem:s23+$0x300] =	vst v0  }
0x3c: {  	[tilespmem:s23+$0x310] =	vst v0  }
0x3d: {  	[tilespmem:s23+$0x320] =	vst v0  }
0x3e: {  	[tilespmem:s23+$0x330] =	vst v0  }
0x3f: {  	[tilespmem:s23+$0x340] =	vst v0  }
0x40: {  	[tilespmem:s23+$0x350] =	vst v0  }
0x41: {  	[tilespmem:s23+$0x360] =	vst v0  }
0x42: {  	[tilespmem:s23+$0x370] =	vst v0  }
0x43: {  	[tilespmem:s23+$0x380] =	vst v0  }
0x44: {  	[tilespmem:s23+$0x390] =	vst v0  }
0x45: {  	[tilespmem:s23+$0x3A0] =	vst v0  }
0x46: {  	[tilespmem:s23+$0x3B0] =	vst v0  }
0x47: {  	[tilespmem:s23+$0x3C0] =	vst v0  }
0x48: {  	[tilespmem:s23+$0x3D0] =	vst v0  }
0x49: {  	[tilespmem:s23+$0x3E0] =	vst v0  }
0x4a: {  	[tilespmem:s23+$0x3F0] =	vst v0  }
0x4b: {  	[tilespmem:s23+$0x400] =	vst v0  }
0x4c: {  	[tilespmem:s23+$0x410] =	vst v0  }
0x4d: {  	[tilespmem:s23+$0x420] =	vst v0  }
0x4e: {  	[tilespmem:s23+$0x430] =	vst v0  }
0x4f: {  	[tilespmem:s23+$0x440] =	vst v0  }
0x50: {  	[tilespmem:s23+$0x450] =	vst v0  }
0x51: {  	[tilespmem:s23+$0x460] =	vst v0  }
0x52: {  	[tilespmem:s23+$0x470] =	vst v0  }
0x53: {  	[tilespmem:s23+$0x480] =	vst v0  }
0x54: {  	[tilespmem:s23+$0x490] =	vst v0  }
.Ltmp0:
0x55: {  	[tilespmem:s23+$0x4A0] =	vst v0;
	(pc) =	sbr.rel @p0 .LBB2_2-.Ltmp0, $4  }
0x56: {  	[tilespmem:s23+$0x4B0] =	vst v0  }
0x57: {  	[tilespmem:s23+$0x4C0] =	vst v0  }
0x58: {  	[tilespmem:s23+$0x4D0] =	vst v0  }
0x59: {  	[tilespmem:s23+$0x4E0] =	vst v0;
	s23 =	sshra.s32 s24, $0x2;
	s24 =	sadd.s32 $0x1000, s24  }
0x5a: {  	[tilespmem:s23+$0x4F0] =	vst v0  }
0x5b: {  	[tilespmem:s23+$0x100] =	vst v0  }
0x5c: {  	[tilespmem:s23+$0x110] =	vst v0  }
0x5d: {  	[tilespmem:s23+$0x120] =	vst v0  }
0x5e: {  	[tilespmem:s23+$0x130] =	vst v0  }
0x5f: {  	[tilespmem:s23+$0x140] =	vst v0  }
0x60: {  	[tilespmem:s23+$0x150] =	vst v0  }
0x61: {  	[tilespmem:s23+$0x160] =	vst v0  }
0x62: {  	[tilespmem:s23+$0x170] =	vst v0  }
0x63: {  	[tilespmem:s23+$0x180] =	vst v0  }
0x64: {  	[tilespmem:s23+$0x190] =	vst v0  }
0x65: {  	[tilespmem:s23+$0x1A0] =	vst v0  }
0x66: {  	[tilespmem:s23+$0x1B0] =	vst v0  }
0x67: {  	[tilespmem:s23+$0x1C0] =	vst v0  }
0x68: {  	[tilespmem:s23+$0x1D0] =	vst v0  }
0x69: {  	[tilespmem:s23+$0x1E0] =	vst v0  }
0x6a: {  	[tilespmem:s23+$0x1F0] =	vst v0  }
0x6b: {  	[tilespmem:s23+$0x200] =	vst v0  }
0x6c: {  	[tilespmem:s23+$0x210] =	vst v0  }
0x6d: {  	[tilespmem:s23+$0x220] =	vst v0  }
0x6e: {  	[tilespmem:s23+$0x230] =	vst v0  }
0x6f: {  	[tilespmem:s23+$0x240] =	vst v0  }
0x70: {  	[tilespmem:s23+$0x250] =	vst v0  }
0x71: {  	[tilespmem:s23+$0x260] =	vst v0  }
0x72: {  	[tilespmem:s23+$0x270] =	vst v0  }
0x73: {  	[tilespmem:s23+$0x280] =	vst v0  }
0x74: {  	[tilespmem:s23+$0x290] =	vst v0  }
0x75: {  	[tilespmem:s23+$0x2A0] =	vst v0  }
0x76: {  	[tilespmem:s23+$0x2B0] =	vst v0  }
0x77: {  	[tilespmem:s23+$0x2C0] =	vst v0  }
0x78: {  	[tilespmem:s23+$0x2D0] =	vst v0  }
0x79: {  	[tilespmem:s23+$0x2E0] =	vst v0  }
0x7a: {  	[tilespmem:s23+$0x2F0] =	vst v0  }
0x7b: {  	[tilespmem:s23+$0x300] =	vst v0  }
0x7c: {  	[tilespmem:s23+$0x310] =	vst v0  }
0x7d: {  	[tilespmem:s23+$0x320] =	vst v0  }
0x7e: {  	[tilespmem:s23+$0x330] =	vst v0  }
0x7f: {  	[tilespmem:s23+$0x340] =	vst v0  }
0x80: {  	[tilespmem:s23+$0x350] =	vst v0  }
0x81: {  	[tilespmem:s23+$0x360] =	vst v0  }
0x82: {  	[tilespmem:s23+$0x370] =	vst v0  }
0x83: {  	[tilespmem:s23+$0x380] =	vst v0  }
0x84: {  	[tilespmem:s23+$0x390] =	vst v0  }
0x85: {  	[tilespmem:s23+$0x3A0] =	vst v0  }
0x86: {  	[tilespmem:s23+$0x3B0] =	vst v0  }
0x87: {  	[tilespmem:s23+$0x3C0] =	vst v0  }
0x88: {  	[tilespmem:s23+$0x3D0] =	vst v0  }
0x89: {  	[tilespmem:s23+$0x3E0] =	vst v0  }
0x8a: {  	[tilespmem:s23+$0x3F0] =	vst v0  }
0x8b: {  	[tilespmem:s23+$0x400] =	vst v0  }
0x8c: {  	[tilespmem:s23+$0x410] =	vst v0  }
0x8d: {  	[tilespmem:s23+$0x420] =	vst v0  }
0x8e: {  	[tilespmem:s23+$0x430] =	vst v0  }
0x8f: {  	[tilespmem:s23+$0x440] =	vst v0  }
0x90: {  	[tilespmem:s23+$0x450] =	vst v0  }
0x91: {  	[tilespmem:s23+$0x460] =	vst v0  }
0x92: {  	[tilespmem:s23+$0x470] =	vst v0  }
0x93: {  	[tilespmem:s23+$0x480] =	vst v0  }
0x94: {  	[tilespmem:s23+$0x490] =	vst v0  }
0x95: {  	[tilespmem:s23+$0x4A0] =	vst v0  }
0x96: {  	[tilespmem:s23+$0x4B0] =	vst v0  }
0x97: {  	[tilespmem:s23+$0x4C0] =	vst v0  }
0x98: {  	[tilespmem:s23+$0x4D0] =	vst v0;
	s0 =	simm.s32 $0x100  }
0x99: {  	[tilespmem:s23+$0x4E0] =	vst v0;
	s24 =	simm.s32 $0x0;
	s23 =	simm.s32 $0x0;
	s25 =	simm.s32 $0x1000  }
0x9a: {  	[spmem:s7] =	stream.linear.scatter [tilespmem:s0], [sflag:$0x2], $0xC000, $0x38;
	[tilespmem:$0x1A100] =	vst v63  }
.LBB2_4:
0x9b: {  	p0 =	sne.s32 s25, $0x7000;
	[tilespmem:s23+$0xC4F0] =	vst v0  }
0x9c: {  	[tilespmem:s23+$0xC100] =	vst v0  }
0x9d: {  	[tilespmem:s23+$0xC110] =	vst v0  }
0x9e: {  	[tilespmem:s23+$0xC120] =	vst v0  }
0x9f: {  	[tilespmem:s23+$0xC130] =	vst v0  }
0xa0: {  	[tilespmem:s23+$0xC140] =	vst v0  }
0xa1: {  	[tilespmem:s23+$0xC150] =	vst v0  }
0xa2: {  	[tilespmem:s23+$0xC160] =	vst v0  }
0xa3: {  	[tilespmem:s23+$0xC170] =	vst v0  }
0xa4: {  	[tilespmem:s23+$0xC180] =	vst v0  }
0xa5: {  	[tilespmem:s23+$0xC190] =	vst v0  }
0xa6: {  	[tilespmem:s23+$0xC1A0] =	vst v0  }
0xa7: {  	[tilespmem:s23+$0xC1B0] =	vst v0  }
0xa8: {  	[tilespmem:s23+$0xC1C0] =	vst v0  }
0xa9: {  	[tilespmem:s23+$0xC1D0] =	vst v0  }
0xaa: {  	[tilespmem:s23+$0xC1E0] =	vst v0  }
0xab: {  	[tilespmem:s23+$0xC1F0] =	vst v0  }
0xac: {  	[tilespmem:s23+$0xC200] =	vst v0  }
0xad: {  	[tilespmem:s23+$0xC210] =	vst v0  }
0xae: {  	[tilespmem:s23+$0xC220] =	vst v0  }
0xaf: {  	[tilespmem:s23+$0xC230] =	vst v0  }
0xb0: {  	[tilespmem:s23+$0xC240] =	vst v0  }
0xb1: {  	[tilespmem:s23+$0xC250] =	vst v0  }
0xb2: {  	[tilespmem:s23+$0xC260] =	vst v0  }
0xb3: {  	[tilespmem:s23+$0xC270] =	vst v0  }
0xb4: {  	[tilespmem:s23+$0xC280] =	vst v0  }
0xb5: {  	[tilespmem:s23+$0xC290] =	vst v0  }
0xb6: {  	[tilespmem:s23+$0xC2A0] =	vst v0  }
0xb7: {  	[tilespmem:s23+$0xC2B0] =	vst v0  }
0xb8: {  	[tilespmem:s23+$0xC2C0] =	vst v0  }
0xb9: {  	[tilespmem:s23+$0xC2D0] =	vst v0  }
0xba: {  	[tilespmem:s23+$0xC2E0] =	vst v0  }
0xbb: {  	[tilespmem:s23+$0xC2F0] =	vst v0  }
0xbc: {  	[tilespmem:s23+$0xC300] =	vst v0  }
0xbd: {  	[tilespmem:s23+$0xC310] =	vst v0  }
0xbe: {  	[tilespmem:s23+$0xC320] =	vst v0  }
0xbf: {  	[tilespmem:s23+$0xC330] =	vst v0  }
0xc0: {  	[tilespmem:s23+$0xC340] =	vst v0  }
0xc1: {  	[tilespmem:s23+$0xC350] =	vst v0  }
0xc2: {  	[tilespmem:s23+$0xC360] =	vst v0  }
0xc3: {  	[tilespmem:s23+$0xC370] =	vst v0  }
0xc4: {  	[tilespmem:s23+$0xC380] =	vst v0  }
0xc5: {  	[tilespmem:s23+$0xC390] =	vst v0  }
0xc6: {  	[tilespmem:s23+$0xC3A0] =	vst v0  }
0xc7: {  	[tilespmem:s23+$0xC3B0] =	vst v0  }
0xc8: {  	[tilespmem:s23+$0xC3C0] =	vst v0  }
0xc9: {  	[tilespmem:s23+$0xC3D0] =	vst v0  }
0xca: {  	[tilespmem:s23+$0xC3E0] =	vst v0  }
0xcb: {  	[tilespmem:s23+$0xC3F0] =	vst v0  }
0xcc: {  	[tilespmem:s23+$0xC400] =	vst v0  }
0xcd: {  	[tilespmem:s23+$0xC410] =	vst v0  }
0xce: {  	[tilespmem:s23+$0xC420] =	vst v0  }
0xcf: {  	[tilespmem:s23+$0xC430] =	vst v0  }
0xd0: {  	[tilespmem:s23+$0xC440] =	vst v0  }
0xd1: {  	[tilespmem:s23+$0xC450] =	vst v0  }
0xd2: {  	[tilespmem:s23+$0xC460] =	vst v0  }
0xd3: {  	[tilespmem:s23+$0xC470] =	vst v0  }
0xd4: {  	[tilespmem:s23+$0xC480] =	vst v0  }
0xd5: {  	[tilespmem:s23+$0xC490] =	vst v0  }
.Ltmp1:
0xd6: {  	[tilespmem:s23+$0xC4A0] =	vst v0;
	(pc) =	sbr.rel @p0 .LBB2_4-.Ltmp1, $4  }
0xd7: {  	[tilespmem:s23+$0xC4B0] =	vst v0  }
0xd8: {  	[tilespmem:s23+$0xC4C0] =	vst v0  }
0xd9: {  	[tilespmem:s23+$0xC4D0] =	vst v0  }
0xda: {  	[tilespmem:s23+$0xC4E0] =	vst v0;
	s23 =	sshra.s32 s25, $0x2;
	s25 =	sadd.s32 $0x1000, s25  }
0xdb: {  	[tilespmem:s23+$0xC4F0] =	vst v0  }
0xdc: {  	[tilespmem:s23+$0xC100] =	vst v0  }
0xdd: {  	[tilespmem:s23+$0xC110] =	vst v0  }
0xde: {  	[tilespmem:s23+$0xC120] =	vst v0  }
0xdf: {  	[tilespmem:s23+$0xC130] =	vst v0  }
0xe0: {  	[tilespmem:s23+$0xC140] =	vst v0  }
0xe1: {  	[tilespmem:s23+$0xC150] =	vst v0  }
0xe2: {  	[tilespmem:s23+$0xC160] =	vst v0  }
0xe3: {  	[tilespmem:s23+$0xC170] =	vst v0  }
0xe4: {  	[tilespmem:s23+$0xC180] =	vst v0  }
0xe5: {  	[tilespmem:s23+$0xC190] =	vst v0  }
0xe6: {  	[tilespmem:s23+$0xC1A0] =	vst v0  }
0xe7: {  	[tilespmem:s23+$0xC1B0] =	vst v0  }
0xe8: {  	[tilespmem:s23+$0xC1C0] =	vst v0  }
0xe9: {  	[tilespmem:s23+$0xC1D0] =	vst v0  }
0xea: {  	[tilespmem:s23+$0xC1E0] =	vst v0  }
0xeb: {  	[tilespmem:s23+$0xC1F0] =	vst v0  }
0xec: {  	[tilespmem:s23+$0xC200] =	vst v0  }
0xed: {  	[tilespmem:s23+$0xC210] =	vst v0  }
0xee: {  	[tilespmem:s23+$0xC220] =	vst v0  }
0xef: {  	[tilespmem:s23+$0xC230] =	vst v0  }
0xf0: {  	[tilespmem:s23+$0xC240] =	vst v0  }
0xf1: {  	[tilespmem:s23+$0xC250] =	vst v0  }
0xf2: {  	[tilespmem:s23+$0xC260] =	vst v0  }
0xf3: {  	[tilespmem:s23+$0xC270] =	vst v0  }
0xf4: {  	[tilespmem:s23+$0xC280] =	vst v0  }
0xf5: {  	[tilespmem:s23+$0xC290] =	vst v0  }
0xf6: {  	[tilespmem:s23+$0xC2A0] =	vst v0  }
0xf7: {  	[tilespmem:s23+$0xC2B0] =	vst v0  }
0xf8: {  	[tilespmem:s23+$0xC2C0] =	vst v0  }
0xf9: {  	[tilespmem:s23+$0xC2D0] =	vst v0  }
0xfa: {  	[tilespmem:s23+$0xC2E0] =	vst v0  }
0xfb: {  	[tilespmem:s23+$0xC2F0] =	vst v0  }
0xfc: {  	[tilespmem:s23+$0xC300] =	vst v0  }
0xfd: {  	[tilespmem:s23+$0xC310] =	vst v0  }
0xfe: {  	[tilespmem:s23+$0xC320] =	vst v0  }
0xff: {  	[tilespmem:s23+$0xC330] =	vst v0  }
0x100: {  	[tilespmem:s23+$0xC340] =	vst v0  }
0x101: {  	[tilespmem:s23+$0xC350] =	vst v0  }
0x102: {  	[tilespmem:s23+$0xC360] =	vst v0  }
0x103: {  	[tilespmem:s23+$0xC370] =	vst v0  }
0x104: {  	[tilespmem:s23+$0xC380] =	vst v0  }
0x105: {  	[tilespmem:s23+$0xC390] =	vst v0  }
0x106: {  	[tilespmem:s23+$0xC3A0] =	vst v0  }
0x107: {  	[tilespmem:s23+$0xC3B0] =	vst v0  }
0x108: {  	[tilespmem:s23+$0xC3C0] =	vst v0  }
0x109: {  	[tilespmem:s23+$0xC3D0] =	vst v0  }
0x10a: {  	[tilespmem:s23+$0xC3E0] =	vst v0  }
0x10b: {  	[tilespmem:s23+$0xC3F0] =	vst v0  }
0x10c: {  	[tilespmem:s23+$0xC400] =	vst v0  }
0x10d: {  	[tilespmem:s23+$0xC410] =	vst v0  }
0x10e: {  	[tilespmem:s23+$0xC420] =	vst v0  }
0x10f: {  	[tilespmem:s23+$0xC430] =	vst v0  }
0x110: {  	[tilespmem:s23+$0xC440] =	vst v0;
	s25 =	smul.u32 $0x89, s24  }
0x111: {  	[tilespmem:s23+$0xC450] =	vst v0  }
0x112: {  	[tilespmem:s23+$0xC460] =	vst v0;
	s0 =	sshrl.u32 s25, $0xB  }
0x113: {  	[tilespmem:s23+$0xC470] =	vst v0;
	s0 =	sand.u32 $0x1F, s0  }
0x114: {  	[tilespmem:s23+$0xC480] =	vst v0;
	s30 =	smul.u32 $0xF, s0  }
0x115: {  	[tilespmem:s23+$0xC490] =	vst v0  }
0x116: {  	[tilespmem:s23+$0xC4A0] =	vst v0;
	s24 =	ssub.s32 $0x0, s30  }
0x117: {  	[tilespmem:s23+$0xC4B0] =	vst v0;
	s0 =	sadd.s32 s0, s4;
	s29 =	sand.u32 $0xFF, s24  }
0x118: {  	[tilespmem:s23+$0xC4C0] =	vst v0;
	v5 =	vmov s0;
	s26 =	smul.u32 $0x3C, s29  }
0x119: {  	[tilespmem:s23+$0xC4D0] =	vst v0;
	v9 =	vsub.s32 v1, v5;
	v8 =	vsub.s32 v2, v5  }
0x11a: {  	[tilespmem:s23+$0xC4E0] =	vst v0;
	v7 =	vsub.s32 v3, v5;
	v5 =	vsub.s32 v4, v5;
	s24 =	simm.s32 $0x1;
	vm0 =	vlt.u32 v9, $0xF;
	s31 =	sshrl.u32 s26, $0x2  }
0x11b: {  	s28 =	sshrl.u32 s25, $0x4;
	vm3 =	vgt.s32 v9, $0x0;
	vm1 =	vlt.u32 v8, $0xF;
	vm2 =	vgt.s32 v8, $0x0;
	s23 =	smul.u32 $0x89, s24;
	s26 =	simm.s32 $0x2;
	v6 =	vld [tilespmem:s31+$0x0]  }
.LBB2_6:
0x11c: {  	p0 =	sne.s32 s26, $0x77  }
0x11d: {  	v9 =	vnsel vm3, $0x0, v9;
	s0 =	sadd.s32 s29, s5;
	s25 =	sshrl.u32 s25, $0x1;
	vm3 =	vgt.s32 v7, $0x0;
	vm4 =	vgt.s32 v5, $0x0;
	s29 =	sshrl.u32 s23, $0xB  }
0x11e: {  	v8 =	vnsel vm2, $0x0, v8;
	s25 =	sand.u32 $0x2000, s25;
	s30 =	sshll.u32 s0, $0x9;
	v10 =	vnsel vm3, $0x0, v7;
	v11 =	vnsel vm4, $0x0, v5;
	s31 =	sand.u32 $0x1F, s29  }
0x11f: {  	v9 =	vmin.u32 v9, $0xE;
	s0 =	sshll.u32 s0, $0x6;
	v8 =	vmin.u32 v8, $0xE;
	s29 =	sand.u32 $0x3C00, s30;
	v10 =	vmin.u32 v10, $0xE;
	s30 =	smul.u32 $0xF, s31  }
0x120: {  	s28 =	sand.u32 $0x380, s28;
	s0 =	sand.u32 $0x40, s0;
	v11 =	vmin.u32 v11, $0xE;
	v9 =	vperm.xlane v6, v9;
	s25 =	sadd.s32 s29, s25;
	v8 =	vperm.xlane v6, v8  }
0x121: {  	vm2 =	vlt.u32 v7, $0xF;
	v7 =	vperm.xlane v6, v10;
	v6 =	vperm.xlane v6, v11;
	s0 =	sor.u32 s0, s25;
	s25 =	smov.u32 s23;
	s23 =	ssub.s32 s24, s30  }
0x122: {  	v9 =	vnsel vm0, $0x0, v9;
	s0 =	sor.u32 s28, s0;
	v8 =	vnsel vm1, $0x0, v8;
	vm0 =	vlt.u32 v5, $0xF;
	s24 =	smov.u32 s26;
	s29 =	sand.u32 $0xFF, s23  }
0x123: {  	v5 =	vnsel vm2, $0x0, v7;
	[tilespmem:s0+$0xC100] =	vst v9;
	v6 =	vnsel vm0, $0x0, v6;
	s28 =	smul.u32 $0x3C, s29  }
.Ltmp2:
0x124: {  	s23 =	sadd.s32 s31, s4;
	[tilespmem:s0+$0xC110] =	vst v8;
	(pc) =	sbr.rel @p0 .LBB2_6-.Ltmp2, $4  }
0x125: {  	v10 =	vmov s23;
	[tilespmem:s0+$0xC120] =	vst v5  }
0x126: {  	v9 =	vsub.s32 v1, v10;
	v8 =	vsub.s32 v2, v10;
	s23 =	sshrl.u32 s28, $0x2;
	[tilespmem:s0+$0xC130] =	vst v6  }
0x127: {  	v7 =	vsub.s32 v3, v10;
	v5 =	vsub.s32 v4, v10;
	vm0 =	vlt.u32 v9, $0xF;
	v6 =	vld [tilespmem:s23+$0x0]  }
0x128: {  	s26 =	sadd.s32 $0x1, s26;
	vm3 =	vgt.s32 v9, $0x0;
	s28 =	sshrl.u32 s25, $0x4;
	vm1 =	vlt.u32 v8, $0xF;
	vm2 =	vgt.s32 v8, $0x0;
	s23 =	smul.u32 $0x89, s24  }
0x129: {  	s0 =	sadd.s32 s29, s5;
	s25 =	sshrl.u32 s25, $0x1  }
0x12a: {  	v9 =	vnsel vm3, $0x0, v9;
	vm15 =	vgt.s32 v7, $0x0;
	s26 =	sshrl.u32 s23, $0xB;
	s25 =	sand.u32 $0x2000, s25;
	s29 =	sshll.u32 s0, $0x9  }
0x12b: {  	vm4 =	vgt.s32 v5, $0x0;
	v8 =	vnsel vm2, $0x0, v8;
	v9 =	vmin.u32 v9, $0xE;
	s0 =	sshll.u32 s0, $0x6;
	s26 =	sand.u32 $0x1F, s26;
	s29 =	sand.u32 $0x3C00, s29  }
0x12c: {  	v10 =	vnsel vm15, $0x0, v7;
	v8 =	vmin.u32 v8, $0xE;
	s0 =	sand.u32 $0x40, s0;
	s30 =	smul.u32 $0xF, s26;
	v9 =	vperm.xlane v6, v9;
	s25 =	sadd.s32 s29, s25  }
0x12d: {  	s28 =	sand.u32 $0x380, s28;
	v11 =	vnsel vm4, $0x0, v5;
	v10 =	vmin.u32 v10, $0xE;
	v8 =	vperm.xlane v6, v8;
	s0 =	sor.u32 s0, s25  }
0x12e: {  	v11 =	vmin.u32 v11, $0xE;
	v10 =	vperm.xlane v6, v10;
	s24 =	ssub.s32 s24, s30;
	v9 =	vnsel vm0, $0x0, v9;
	s0 =	sor.u32 s28, s0  }
0x12f: {  	vm6 =	vlt.u32 v7, $0xF;
	v6 =	vperm.xlane v6, v11;
	v7 =	vnsel vm1, $0x0, v8;
	s24 =	sand.u32 $0xFF, s24;
	[tilespmem:s0+$0xC100] =	vst v9  }
0x130: {  	vm7 =	vlt.u32 v5, $0xF;
	v5 =	vnsel vm6, $0x0, v10;
	[tilespmem:s0+$0xC110] =	vst v7;
	s17 =	smul.u32 $0x3C, s24  }
0x131: {  	s26 =	sadd.s32 s26, s4;
	v6 =	vnsel vm7, $0x0, v6;
	[tilespmem:s0+$0xC120] =	vst v5  }
0x132: {  	v5 =	vmov s26;
	[tilespmem:s0+$0xC130] =	vst v6;
	s25 =	sshrl.u32 s17, $0x2  }
0x133: {  	v6 =	vsub.s32 v1, v5;
	v7 =	vld [tilespmem:s25+$0x0]  }
0x134: {  	v60 =	vsub.s32 v2, v5;
	v61 =	vsub.s32 v3, v5;
	v5 =	vsub.s32 v4, v5  }
0x135: {  	s26 =	sadd.s32 s24, s5;
	vm8 =	vlt.u32 v6, $0xF;
	vm9 =	vgt.s32 v6, $0x0;
	vm10 =	vlt.u32 v60, $0xF  }
0x136: {  	s1 =	sshrl.u32 s23, $0x1;
	vm11 =	vgt.s32 v60, $0x0;
	vm12 =	vgt.s32 v61, $0x0;
	s15 =	sshll.u32 s26, $0x9;
	v6 =	vnsel vm9, $0x0, v6  }
0x137: {  	s24 =	sand.u32 $0x2000, s1;
	vm13 =	vgt.s32 v5, $0x0;
	s0 =	sshll.u32 s26, $0x6;
	v8 =	vnsel vm11, $0x0, v60;
	v6 =	vmin.u32 v6, $0xE;
	s25 =	sand.u32 $0x3C00, s15  }
0x138: {  	s17 =	sshrl.u32 s23, $0x4;
	v62 =	vnsel vm12, $0x0, v61;
	s0 =	sand.u32 $0x40, s0;
	v8 =	vmin.u32 v8, $0xE;
	s24 =	sadd.s32 s25, s24;
	v6 =	vperm.xlane v7, v6  }
0x139: {  	v63 =	vnsel vm13, $0x0, v5;
	v10 =	vmin.u32 v62, $0xE;
	s23 =	sand.u32 $0x380, s17;
	s0 =	sor.u32 s0, s24;
	v8 =	vperm.xlane v7, v8  }
0x13a: {  	v11 =	vmin.u32 v63, $0xE;
	s0 =	sor.u32 s23, s0;
	v10 =	vperm.xlane v7, v10;
	v6 =	vnsel vm8, $0x0, v6  }
0x13b: {  	vm14 =	vlt.u32 v61, $0xF;
	v7 =	vperm.xlane v7, v11;
	v8 =	vnsel vm10, $0x0, v8;
	[tilespmem:s0+$0xC100] =	vst v6  }
0x13c: {  	vm15 =	vlt.u32 v5, $0xF;
	v5 =	vnsel vm14, $0x0, v10;
	[tilespmem:s0+$0xC110] =	vst v8  }
0x13d: {  	v6 =	vnsel vm15, $0x0, v7;
	[tilespmem:s0+$0xC120] =	vst v5  }
0x13e: {  	s29 =	sadd.s32 $0x0, s10;
	[tilespmem:s0+$0xC130] =	vst v6  }
0x13f: {  	s31 =	sadd.s32 $0xFFFF8000, s11;
	s28 =	sadd.s32 $0x3C00, s29;
	_ =	swait.ge [sflag:s16], $0xC000  }
0x140: {  	s30 =	sadd.s32 $0x4000, s29;
	s29 =	smov.u32 s11;
	[sflag:s16] =	ssyncset.done $0x0  }
0x141: {  	s28 =	sshrl.u32 s28, $0x3;
	s26 =	simm.s32 $0xC100;
	[sflag:s16] =	ssyncadd.s32 $0xFFFF4000  }
0x142: {  	[spmem:s9] =	stream.linear.scatter [tilespmem:s26], [sflag:$0x3], $0x2000, $0x38;
	[tilespmem:$0x1A100] =	vst v63  }
0x143: {  	s1 =	sadd.s32 $0x0, s6;
	s15 =	sshll.u32 s2, $0x6;
	_ =	swait.ge [sflag:s14], $0x2000  }
0x144: {  	s17 =	sadd.s32 $0x3C00, s1;
	s25 =	sor.u32 $0x1C01, s15;
	[sflag:s14] =	ssyncset.done $0x0  }
0x145: {  	s24 =	sadd.s32 $0x10000, s13;
	s23 =	simm.s32 $0xFFFFF000;
	[sflag:s14] =	ssyncadd.s32 $0xFFFFE000  }
0x146: {  	s0 =	sadd.s32 $0x4000, s1;
	s26 =	sshrl.u32 s17, $0x3;
	[bflag:$0x0] =	sbarrier.arrive $0xFFFF  }
0x147: {  	[hbm:s13@s19], [sflag:s25] =	dma.strided [spmem:s26@s20], $0x400, s18, $0x10   }
0x148: {  	[hbm:s12@s19], [sflag:s25] =	dma.strided [spmem:s28@s20], $0x400, s18, $0x10   }
0x149: {  	s0 =	sshrl.u32 s0, $0x3;
	s26 =	sadd.s32 $0x10000, s11;
	s28 =	sadd.s32 $0x10000, s12  }
.LBB2_8:
0x14a: {  	[hbm:s31@s19], [sflag:s25] =	dma.strided [spmem:s0@s20], $0x400, s18, $0x10   }
0x14b: {  	s0 =	smov.u32 s23;
	s31 =	smov.u32 s24;
	s1 =	smov.u32 s28  }
0x14c: {  	p0 =	sne.s32 s23, $0xFFFF1000;
	s23 =	sadd.s32 $0xFFFFF000, s23;
	s30 =	sshrl.u32 s30, $0x3  }
0x14d: {  	[hbm:s29@s19], [sflag:s25] =	dma.strided [spmem:s30@s20], $0x400, s18, $0x10   }
0x14e: {  	s29 =	smov.u32 s26  }
0x14f: {  	s24 =	sadd.s32 $0x10000, s24  }
0x150: {  	s28 =	sadd.s32 $0x10000, s28;
	s0 =	sshra.s32 s0, $0x2;
	s26 =	sadd.s32 $0x10000, s26  }
0x151: {  	s30 =	sadd.s32 s0, s6;
	s15 =	sadd.s32 s0, s10  }
.Ltmp3:
0x152: {  	s0 =	sadd.s32 $0x3C00, s30;
	s17 =	sadd.s32 $0x3C00, s15;
	(pc) =	sbr.rel @p0 .LBB2_8-.Ltmp3, $4  }
0x153: {  	s30 =	sadd.s32 $0x4000, s30;
	s0 =	sshrl.u32 s0, $0x3;
	s17 =	sshrl.u32 s17, $0x3  }
0x154: {  	[hbm:s31@s19], [sflag:s25] =	dma.strided [spmem:s0@s20], $0x400, s18, $0x10   }
0x155: {  	[hbm:s1@s19], [sflag:s25] =	dma.strided [spmem:s17@s20], $0x400, s18, $0x10   }
0x156: {  	s31 =	sadd.s32 $0xFFFF8000, s29;
	s0 =	sshrl.u32 s30, $0x3;
	s30 =	sadd.s32 $0x4000, s15  }
0x157: {  	[hbm:s31@s19], [sflag:s25] =	dma.strided [spmem:s0@s20], $0x400, s18, $0x10   }
0x158: {  	s31 =	sshrl.u32 s30, $0x3;
	s22 =	sadd.s32 $0x1, s22  }
0x159: {  	[hbm:s29@s19], [sflag:s25] =	dma.strided [spmem:s31@s20], $0x400, s18, $0x10   }
0x15a: {  	p0 =	sne.s32 s22, s8;
	_ =	swait.ge [sflag:s21], $0x8000  }
.Ltmp4:
0x15b: {  	[sflag:s21] =	ssyncset.done $0x0;
	(pc) =	sbr.rel @p0 .LBB2_1-.Ltmp4, $4  }
0x15c: {  	[sflag:s21] =	ssyncadd.s32 $0xFFFF8000  }
0x15d: {  	_ =	swait.ge [sflag:s21], $0x8000  }
0x15e: {  	[sflag:s21] =	ssyncset.done $0x0  }
0x15f: {  	[sflag:s21] =	ssyncadd.s32 $0xFFFF8000  }
0x160: {  	_ =	sfence.sel $0x180000  }
0x161: {  	[bflag:$0x0] =	sbarrier.arrive $0xFFFF  }
0x162: {  	_ =	strace $0x90000047  }
0x163: {  	[bflag:$0x2] =	sbarrier.arrive $0xFFFF  }
0x164: {  	p0 =	sne.s32 s2, $0x0;
	s0 =	rddreg [dreg:$0x4]  }
0x165: {  	s0 =	sadd.s32 @!p0 $0x100000, s0  }
0x166: {  	[sflag:s0] =	ssyncadd.tile.s32 @!p0 $0x1;
	_ =	shalt  }
.Lfunc_end2:
_tile_overlayer_lowered:
.L_overlay_start_2:
0x167: {  	(tag) =	ssettag $0x2  }
0x168: {  	s0 =	rddreg [dreg:$0x0];
	s2 =	stileid.u32  }
0x169: {  	s1 =	rddreg [dreg:$0x1];
	p0 =	sne.s32 s2, $0x0  }
0x16a: {  	s3 =	rddreg [dreg:$0x2];
	[bflag:$0x3] =	sbarrier.arrive $0xFFFF;
	s2 =	simm.s32 @!p0 $0x1C03  }
0x16b: {  	[timem:s3], [sflag:s2] =	dma.local @!p0 [hbm:s0], s1  }
0x16c: {  	s0 =	simm.s32 @!p0 $0x3  }
0x16d: {  	_ =	swait.ge @!p0 [sflag:s0], s1  }
0x16e: {  	s1 =	ssub.s32 @!p0 $0x0, s1;
	[sflag:s0] =	ssyncset.done @!p0 $0x0  }
0x16f: {  	[sflag:s0] =	ssyncadd.s32 @!p0 s1  }
0x170: {  	[bflag:$0x3] =	sbarrier.arrive $0xFFFF  }
0x171: {  	_ =	shalt  }

</sc_bundles>
